<compile_context>
chip_gen: v7x
topology: tpu7x:2x2x1
jax: 0.10.2.dev20260603
libtpu: 0.0.44.dev20260713+nightly
codegen_flags: <defaults>
</compile_context>

<pallas_src>
import functools

import jax
import jax.numpy as jnp
from jax import lax
from jax.experimental import pallas as pl
from jax.experimental.pallas import tpu as pltpu
from jax.experimental.pallas import tpu_sc as plsc

ENTRIES = 100000
DIM2 = 128
BATCH = 4096
HIST = 50

NC = 2
NS = 16
NW = NC * NS
CH = BATCH // NW
NCH = HIST
NBUF = 5

_mesh = plsc.VectorSubcoreMesh(core_axis_name="c", subcore_axis_name="s")


@functools.partial(
    pl.kernel,
    out_type=jax.ShapeDtypeStruct((HIST, BATCH, DIM2), jnp.float32),
    mesh=_mesh,
    scratch_types=[
        pltpu.VMEM((NCH, CH), jnp.int32),
        [pltpu.VMEM((CH, DIM2), jnp.float32)] * NBUF,
        [pltpu.SemaphoreType.DMA] * NBUF,
        [pltpu.SemaphoreType.DMA] * NBUF,
    ],
)
def _gather(idx_hbm, table_hbm, out_hbm, idx_v, rows, gsem, wsem):
    wid = lax.axis_index("s") * NC + lax.axis_index("c")
    base = wid * CH
    pltpu.sync_copy(idx_hbm.at[:, pl.ds(base, CH)], idx_v)

    def out_slice(h):
        return out_hbm.at[h, pl.ds(base, CH)]

    for b in range(NBUF):
        pltpu.async_copy(table_hbm.at[idx_v.at[b]], rows[b], gsem[b])

    def round_(i, carry):
        g = i * NBUF
        for b in range(NBUF):
            h = g + b
            pltpu.make_async_copy(table_hbm.at[idx_v.at[h]], rows[b],
                                  gsem[b]).wait()
            pltpu.async_copy(rows[b], out_slice(h), wsem[b]).wait()
            pltpu.async_copy(table_hbm.at[idx_v.at[h + NBUF]], rows[b],
                             gsem[b])
        return carry

    lax.fori_loop(0, NCH // NBUF - 1, round_, 0)

    for b in range(NBUF):
        h = NCH - NBUF + b
        pltpu.make_async_copy(table_hbm.at[idx_v.at[h]], rows[b],
                              gsem[b]).wait()
        pltpu.sync_copy(rows[b], out_slice(h))


def kernel(x, weight):
    out = _gather(x.T.astype(jnp.int32), weight)
    return jnp.transpose(out, (1, 0, 2))

# --- scband reference (transcript-rebuilt; emitter-appended) ---
"""Pipeline reference for scband-box-registry-11433202942156 (READ-ONLY COPY).

The authoritative reference and input builder live on the scoring server;
editing this copy changes nothing except your own understanding.
"""

import jax, jax.numpy as jnp
import numpy as np

ENTRIES = 100000
DIM = 64
BATCH = 4096
HIST = 50

def setup_inputs(seed: int = 0) -> dict:
    key = jax.random.key(seed)
    k1, k2, k3 = jax.random.split(key, 3)
    # BoxRegistry init: uniform_(center, -1, 1), uniform_(offset, 0, 1), weight = cat([center, offset], dim=1)
    center = jax.random.uniform(k1, (ENTRIES, DIM), minval=-1.0, maxval=1.0, dtype=jnp.float32)
    offset = jax.random.uniform(k2, (ENTRIES, DIM), minval=0.0, maxval=1.0, dtype=jnp.float32)
    weight = jnp.concatenate([center, offset], axis=1)  # [ENTRIES, 2*DIM]
    x = jax.random.randint(k3, (BATCH, HIST), 0, ENTRIES, dtype=jnp.int64 if jax.config.jax_enable_x64 else jnp.int32)
    return {"x": x, "weight": weight}

def reference(x, weight):
    # forward(x) = self.boxes(x)  -> embedding lookup into concatenated [center|offset] table
    return jnp.take(weight, x, axis=0)  # [BATCH, HIST, 2*DIM]

if __name__ == "__main__":
    import jax
    _d = setup_inputs()
    print(jax.jit(kernel)(*tuple(_d.values())))

</pallas_src>

<mosaic_0001>
#map = affine_map<(d0, d1) -> (0, 0)>
#map1 = affine_map<(d0, d1) -> (0, 0, 0)>
module attributes {stable_mosaic.version = 14 : i64} {
  func.func @_gather(%arg0: i32, %arg1: i32, %arg2: memref<50x4096xi32, #tpu.memory_space<hbm>>, %arg3: memref<100000x128xf32, #tpu.memory_space<hbm>>, %arg4: memref<50x4096x128xf32, #tpu.memory_space<hbm>>, %arg5: memref<50x128xi32, #tpu.memory_space<vmem>>, %arg6: memref<128x128xf32, #tpu.memory_space<vmem>>, %arg7: memref<128x128xf32, #tpu.memory_space<vmem>>, %arg8: memref<128x128xf32, #tpu.memory_space<vmem>>, %arg9: memref<128x128xf32, #tpu.memory_space<vmem>>, %arg10: memref<128x128xf32, #tpu.memory_space<vmem>>, %arg11: memref<!tpu.dma_semaphore, #tpu.memory_space<semaphore_mem>>, %arg12: memref<!tpu.dma_semaphore, #tpu.memory_space<semaphore_mem>>, %arg13: memref<!tpu.dma_semaphore, #tpu.memory_space<semaphore_mem>>, %arg14: memref<!tpu.dma_semaphore, #tpu.memory_space<semaphore_mem>>, %arg15: memref<!tpu.dma_semaphore, #tpu.memory_space<semaphore_mem>>, %arg16: memref<!tpu.dma_semaphore, #tpu.memory_space<semaphore_mem>>, %arg17: memref<!tpu.dma_semaphore, #tpu.memory_space<semaphore_mem>>, %arg18: memref<!tpu.dma_semaphore, #tpu.memory_space<semaphore_mem>>, %arg19: memref<!tpu.dma_semaphore, #tpu.memory_space<semaphore_mem>>, %arg20: memref<!tpu.dma_semaphore, #tpu.memory_space<semaphore_mem>>) attributes {dimension_semantics = [#tpu.dimension_semantics<core_parallel>, #tpu.dimension_semantics<subcore_parallel>], iteration_bounds = array<i64: 2, 16>, scalar_prefetch = 0 : i64, scratch_operands = 16 : i64, tpu.core_type = #tpu.core_type<sc_vector_subcore>, window_params = [{transform_indices = #map}, {transform_indices = #map}, {transform_indices = #map1}]} {
    %mul3A = arith.constant 2 : i32
    %mul3A_0 = arith.muli %arg1, %mul3A : i32
    %add3A = arith.addi %mul3A_0, %arg0 : i32
    %mul3A_1 = arith.constant 128 : i32
    %mul3A_2 = arith.muli %add3A, %mul3A_1 : i32
    "tpu.region"() ({
      %run_scoped3A_80 = tpu.sem_alloc : memref<!tpu.dma_semaphore, #tpu.memory_space<semaphore_mem>>
      %dma_start3A_81 = arith.constant 0 : i32
      %dma_start3A_82 = tpu.memref_slice %arg2[%dma_start3A_81, %mul3A_2] : memref<50x4096xi32, #tpu.memory_space<hbm>> -> memref<50x128xi32, #tpu.memory_space<hbm>>
      %dma_start3A_83 = arith.constant 0 : i32
      %dma_start3A_84 = tpu.memref_slice %arg2[%dma_start3A_83, %mul3A_2] : memref<50x4096xi32, #tpu.memory_space<hbm>> -> memref<50x128xi32, #tpu.memory_space<hbm>>
      tpu.enqueue_dma source(%dma_start3A_84 : memref<50x128xi32, #tpu.memory_space<hbm>>) target(%arg5 : memref<50x128xi32, #tpu.memory_space<vmem>>) target_semaphore(%run_scoped3A_80 : memref<!tpu.dma_semaphore, #tpu.memory_space<semaphore_mem>>)
      %dma_wait3A_85 = arith.constant 0 : i32
      %dma_wait3A_86 = tpu.memref_slice %arg2[%dma_wait3A_85, %mul3A_2] : memref<50x4096xi32, #tpu.memory_space<hbm>> -> memref<50x128xi32, #tpu.memory_space<hbm>>
      %dma_wait3A_87 = arith.constant 0 : i32
      %dma_wait3A_88 = tpu.memref_slice %arg2[%dma_wait3A_87, %mul3A_2] : memref<50x4096xi32, #tpu.memory_space<hbm>> -> memref<50x128xi32, #tpu.memory_space<hbm>>
      tpu.wait_dma2 semaphore(%run_scoped3A_80 : memref<!tpu.dma_semaphore, #tpu.memory_space<semaphore_mem>>) src(%dma_wait3A_88 : memref<50x128xi32, #tpu.memory_space<hbm>>) dst(%arg5 : memref<50x128xi32, #tpu.memory_space<vmem>>)
      tpu.yield
    }) : () -> ()
    %dma_start3A = arith.constant 0 : i32
    %dma_start3A_3 = arith.constant 0 : i32
    %dma_start3A_4 = tpu.memref_slice %arg5[%dma_start3A, %dma_start3A_3] : memref<50x128xi32, #tpu.memory_space<vmem>> -> memref<1x128xi32, #tpu.memory_space<vmem>>
    %dma_start3A_5 = tpu.memref_squeeze %dma_start3A_4 : memref<1x128xi32, #tpu.memory_space<vmem>> -> memref<128xi32, #tpu.memory_space<vmem>>
    %dma_start3A_6 = arith.constant 0 : i32
    %dma_start3A_7 = arith.constant 0 : i32
    %dma_start3A_8 = tpu.memref_slice %arg3[%dma_start3A_6, %dma_start3A_7] : memref<100000x128xf32, #tpu.memory_space<hbm>> -> memref<100000x128xf32, #tpu.memory_space<hbm>>
    tpu.enqueue_indirect_dma source(%dma_start3A_8 : memref<100000x128xf32, #tpu.memory_space<hbm>>) target(%arg6 : memref<128x128xf32, #tpu.memory_space<vmem>>) offsets(%dma_start3A_5 : memref<128xi32, #tpu.memory_space<vmem>>) semaphore(%arg11 : memref<!tpu.dma_semaphore, #tpu.memory_space<semaphore_mem>>)
    %dma_start3A_9 = arith.constant 1 : i32
    %dma_start3A_10 = arith.constant 0 : i32
    %dma_start3A_11 = tpu.memref_slice %arg5[%dma_start3A_9, %dma_start3A_10] : memref<50x128xi32, #tpu.memory_space<vmem>> -> memref<1x128xi32, #tpu.memory_space<vmem>>
    %dma_start3A_12 = tpu.memref_squeeze %dma_start3A_11 : memref<1x128xi32, #tpu.memory_space<vmem>> -> memref<128xi32, #tpu.memory_space<vmem>>
    %dma_start3A_13 = arith.constant 0 : i32
    %dma_start3A_14 = arith.constant 0 : i32
    %dma_start3A_15 = tpu.memref_slice %arg3[%dma_start3A_13, %dma_start3A_14] : memref<100000x128xf32, #tpu.memory_space<hbm>> -> memref<100000x128xf32, #tpu.memory_space<hbm>>
    tpu.enqueue_indirect_dma source(%dma_start3A_15 : memref<100000x128xf32, #tpu.memory_space<hbm>>) target(%arg7 : memref<128x128xf32, #tpu.memory_space<vmem>>) offsets(%dma_start3A_12 : memref<128xi32, #tpu.memory_space<vmem>>) semaphore(%arg12 : memref<!tpu.dma_semaphore, #tpu.memory_space<semaphore_mem>>)
    %dma_start3A_16 = arith.constant 2 : i32
    %dma_start3A_17 = arith.constant 0 : i32
    %dma_start3A_18 = tpu.memref_slice %arg5[%dma_start3A_16, %dma_start3A_17] : memref<50x128xi32, #tpu.memory_space<vmem>> -> memref<1x128xi32, #tpu.memory_space<vmem>>
    %dma_start3A_19 = tpu.memref_squeeze %dma_start3A_18 : memref<1x128xi32, #tpu.memory_space<vmem>> -> memref<128xi32, #tpu.memory_space<vmem>>
    %dma_start3A_20 = arith.constant 0 : i32
    %dma_start3A_21 = arith.constant 0 : i32
    %dma_start3A_22 = tpu.memref_slice %arg3[%dma_start3A_20, %dma_start3A_21] : memref<100000x128xf32, #tpu.memory_space<hbm>> -> memref<100000x128xf32, #tpu.memory_space<hbm>>
    tpu.enqueue_indirect_dma source(%dma_start3A_22 : memref<100000x128xf32, #tpu.memory_space<hbm>>) target(%arg8 : memref<128x128xf32, #tpu.memory_space<vmem>>) offsets(%dma_start3A_19 : memref<128xi32, #tpu.memory_space<vmem>>) semaphore(%arg13 : memref<!tpu.dma_semaphore, #tpu.memory_space<semaphore_mem>>)
    %dma_start3A_23 = arith.constant 3 : i32
    %dma_start3A_24 = arith.constant 0 : i32
    %dma_start3A_25 = tpu.memref_slice %arg5[%dma_start3A_23, %dma_start3A_24] : memref<50x128xi32, #tpu.memory_space<vmem>> -> memref<1x128xi32, #tpu.memory_space<vmem>>
    %dma_start3A_26 = tpu.memref_squeeze %dma_start3A_25 : memref<1x128xi32, #tpu.memory_space<vmem>> -> memref<128xi32, #tpu.memory_space<vmem>>
    %dma_start3A_27 = arith.constant 0 : i32
    %dma_start3A_28 = arith.constant 0 : i32
    %dma_start3A_29 = tpu.memref_slice %arg3[%dma_start3A_27, %dma_start3A_28] : memref<100000x128xf32, #tpu.memory_space<hbm>> -> memref<100000x128xf32, #tpu.memory_space<hbm>>
    tpu.enqueue_indirect_dma source(%dma_start3A_29 : memref<100000x128xf32, #tpu.memory_space<hbm>>) target(%arg9 : memref<128x128xf32, #tpu.memory_space<vmem>>) offsets(%dma_start3A_26 : memref<128xi32, #tpu.memory_space<vmem>>) semaphore(%arg14 : memref<!tpu.dma_semaphore, #tpu.memory_space<semaphore_mem>>)
    %dma_start3A_30 = arith.constant 4 : i32
    %dma_start3A_31 = arith.constant 0 : i32
    %dma_start3A_32 = tpu.memref_slice %arg5[%dma_start3A_30, %dma_start3A_31] : memref<50x128xi32, #tpu.memory_space<vmem>> -> memref<1x128xi32, #tpu.memory_space<vmem>>
    %dma_start3A_33 = tpu.memref_squeeze %dma_start3A_32 : memref<1x128xi32, #tpu.memory_space<vmem>> -> memref<128xi32, #tpu.memory_space<vmem>>
    %dma_start3A_34 = arith.constant 0 : i32
    %dma_start3A_35 = arith.constant 0 : i32
    %dma_start3A_36 = tpu.memref_slice %arg3[%dma_start3A_34, %dma_start3A_35] : memref<100000x128xf32, #tpu.memory_space<hbm>> -> memref<100000x128xf32, #tpu.memory_space<hbm>>
    tpu.enqueue_indirect_dma source(%dma_start3A_36 : memref<100000x128xf32, #tpu.memory_space<hbm>>) target(%arg10 : memref<128x128xf32, #tpu.memory_space<vmem>>) offsets(%dma_start3A_33 : memref<128xi32, #tpu.memory_space<vmem>>) semaphore(%arg15 : memref<!tpu.dma_semaphore, #tpu.memory_space<semaphore_mem>>)
    %scan3A = arith.constant 0 : i32
    %scan3A_37 = arith.constant 0 : i32
    %scan3A_38 = arith.constant 9 : i32
    %scan3A_39 = arith.addi %scan3A_37, %scan3A_38 : i32
    %scan3A_40 = arith.constant 1 : i32
    scf.for %scan3A_80 = %scan3A_37 to %scan3A_39 step %scan3A_40  : i32 {
      %mul3A_81 = arith.constant 5 : i32
      %mul3A_82 = arith.muli %scan3A_80, %mul3A_81 : i32
      %add3A_83 = arith.constant 0 : i32
      %add3A_84 = arith.addi %mul3A_82, %add3A_83 : i32
      %dma_wait3A_85 = arith.constant 0 : i32
      %dma_wait3A_86 = tpu.memref_slice %arg5[%add3A_84, %dma_wait3A_85] : memref<50x128xi32, #tpu.memory_space<vmem>> -> memref<1x128xi32, #tpu.memory_space<vmem>>
      %dma_wait3A_87 = tpu.memref_squeeze %dma_wait3A_86 : memref<1x128xi32, #tpu.memory_space<vmem>> -> memref<128xi32, #tpu.memory_space<vmem>>
      %dma_wait3A_88 = arith.constant 0 : i32
      %dma_wait3A_89 = arith.constant 0 : i32
      %dma_wait3A_90 = tpu.memref_slice %arg3[%dma_wait3A_88, %dma_wait3A_89] : memref<100000x128xf32, #tpu.memory_space<hbm>> -> memref<100000x128xf32, #tpu.memory_space<hbm>>
      tpu.wait_indirect_dma semaphore(%arg11 : memref<!tpu.dma_semaphore, #tpu.memory_space<semaphore_mem>>) src(%dma_wait3A_90 : memref<100000x128xf32, #tpu.memory_space<hbm>>) dst(%arg6 : memref<128x128xf32, #tpu.memory_space<vmem>>)
      %dma_start3A_91 = arith.constant 0 : i32
      %dma_start3A_92 = tpu.memref_slice %arg4[%add3A_84, %mul3A_2, %dma_start3A_91] : memref<50x4096x128xf32, #tpu.memory_space<hbm>> -> memref<1x128x128xf32, #tpu.memory_space<hbm>>
      %dma_start3A_93 = tpu.memref_squeeze %dma_start3A_92 : memref<1x128x128xf32, #tpu.memory_space<hbm>> -> memref<128x128xf32, #tpu.memory_space<hbm>>
      %dma_start3A_94 = arith.constant 0 : i32
      %dma_start3A_95 = tpu.memref_slice %arg4[%add3A_84, %mul3A_2, %dma_start3A_94] : memref<50x4096x128xf32, #tpu.memory_space<hbm>> -> memref<1x128x128xf32, #tpu.memory_space<hbm>>
      %dma_start3A_96 = tpu.memref_squeeze %dma_start3A_95 : memref<1x128x128xf32, #tpu.memory_space<hbm>> -> memref<128x128xf32, #tpu.memory_space<hbm>>
      tpu.enqueue_dma source(%arg6 : memref<128x128xf32, #tpu.memory_space<vmem>>) target(%dma_start3A_96 : memref<128x128xf32, #tpu.memory_space<hbm>>) target_semaphore(%arg16 : memref<!tpu.dma_semaphore, #tpu.memory_space<semaphore_mem>>)
      %dma_wait3A_97 = arith.constant 0 : i32
      %dma_wait3A_98 = tpu.memref_slice %arg4[%add3A_84, %mul3A_2, %dma_wait3A_97] : memref<50x4096x128xf32, #tpu.memory_space<hbm>> -> memref<1x128x128xf32, #tpu.memory_space<hbm>>
      %dma_wait3A_99 = tpu.memref_squeeze %dma_wait3A_98 : memref<1x128x128xf32, #tpu.memory_space<hbm>> -> memref<128x128xf32, #tpu.memory_space<hbm>>
      %dma_wait3A_100 = arith.constant 0 : i32
      %dma_wait3A_101 = tpu.memref_slice %arg4[%add3A_84, %mul3A_2, %dma_wait3A_100] : memref<50x4096x128xf32, #tpu.memory_space<hbm>> -> memref<1x128x128xf32, #tpu.memory_space<hbm>>
      %dma_wait3A_102 = tpu.memref_squeeze %dma_wait3A_101 : memref<1x128x128xf32, #tpu.memory_space<hbm>> -> memref<128x128xf32, #tpu.memory_space<hbm>>
      tpu.wait_dma2 semaphore(%arg16 : memref<!tpu.dma_semaphore, #tpu.memory_space<semaphore_mem>>) src(%arg6 : memref<128x128xf32, #tpu.memory_space<vmem>>) dst(%dma_wait3A_102 : memref<128x128xf32, #tpu.memory_space<hbm>>)
      %add3A_103 = arith.constant 5 : i32
      %add3A_104 = arith.addi %add3A_84, %add3A_103 : i32
      %dma_start3A_105 = arith.constant 0 : i32
      %dma_start3A_106 = tpu.memref_slice %arg5[%add3A_104, %dma_start3A_105] : memref<50x128xi32, #tpu.memory_space<vmem>> -> memref<1x128xi32, #tpu.memory_space<vmem>>
      %dma_start3A_107 = tpu.memref_squeeze %dma_start3A_106 : memref<1x128xi32, #tpu.memory_space<vmem>> -> memref<128xi32, #tpu.memory_space<vmem>>
      %dma_start3A_108 = arith.constant 0 : i32
      %dma_start3A_109 = arith.constant 0 : i32
      %dma_start3A_110 = tpu.memref_slice %arg3[%dma_start3A_108, %dma_start3A_109] : memref<100000x128xf32, #tpu.memory_space<hbm>> -> memref<100000x128xf32, #tpu.memory_space<hbm>>
      tpu.enqueue_indirect_dma source(%dma_start3A_110 : memref<100000x128xf32, #tpu.memory_space<hbm>>) target(%arg6 : memref<128x128xf32, #tpu.memory_space<vmem>>) offsets(%dma_start3A_107 : memref<128xi32, #tpu.memory_space<vmem>>) semaphore(%arg11 : memref<!tpu.dma_semaphore, #tpu.memory_space<semaphore_mem>>)
      %add3A_111 = arith.constant 1 : i32
      %add3A_112 = arith.addi %mul3A_82, %add3A_111 : i32
      %dma_wait3A_113 = arith.constant 0 : i32
      %dma_wait3A_114 = tpu.memref_slice %arg5[%add3A_112, %dma_wait3A_113] : memref<50x128xi32, #tpu.memory_space<vmem>> -> memref<1x128xi32, #tpu.memory_space<vmem>>
      %dma_wait3A_115 = tpu.memref_squeeze %dma_wait3A_114 : memref<1x128xi32, #tpu.memory_space<vmem>> -> memref<128xi32, #tpu.memory_space<vmem>>
      %dma_wait3A_116 = arith.constant 0 : i32
      %dma_wait3A_117 = arith.constant 0 : i32
      %dma_wait3A_118 = tpu.memref_slice %arg3[%dma_wait3A_116, %dma_wait3A_117] : memref<100000x128xf32, #tpu.memory_space<hbm>> -> memref<100000x128xf32, #tpu.memory_space<hbm>>
      tpu.wait_indirect_dma semaphore(%arg12 : memref<!tpu.dma_semaphore, #tpu.memory_space<semaphore_mem>>) src(%dma_wait3A_118 : memref<100000x128xf32, #tpu.memory_space<hbm>>) dst(%arg7 : memref<128x128xf32, #tpu.memory_space<vmem>>)
      %dma_start3A_119 = arith.constant 0 : i32
      %dma_start3A_120 = tpu.memref_slice %arg4[%add3A_112, %mul3A_2, %dma_start3A_119] : memref<50x4096x128xf32, #tpu.memory_space<hbm>> -> memref<1x128x128xf32, #tpu.memory_space<hbm>>
      %dma_start3A_121 = tpu.memref_squeeze %dma_start3A_120 : memref<1x128x128xf32, #tpu.memory_space<hbm>> -> memref<128x128xf32, #tpu.memory_space<hbm>>
      %dma_start3A_122 = arith.constant 0 : i32
      %dma_start3A_123 = tpu.memref_slice %arg4[%add3A_112, %mul3A_2, %dma_start3A_122] : memref<50x4096x128xf32, #tpu.memory_space<hbm>> -> memref<1x128x128xf32, #tpu.memory_space<hbm>>
      %dma_start3A_124 = tpu.memref_squeeze %dma_start3A_123 : memref<1x128x128xf32, #tpu.memory_space<hbm>> -> memref<128x128xf32, #tpu.memory_space<hbm>>
      tpu.enqueue_dma source(%arg7 : memref<128x128xf32, #tpu.memory_space<vmem>>) target(%dma_start3A_124 : memref<128x128xf32, #tpu.memory_space<hbm>>) target_semaphore(%arg17 : memref<!tpu.dma_semaphore, #tpu.memory_space<semaphore_mem>>)
      %dma_wait3A_125 = arith.constant 0 : i32
      %dma_wait3A_126 = tpu.memref_slice %arg4[%add3A_112, %mul3A_2, %dma_wait3A_125] : memref<50x4096x128xf32, #tpu.memory_space<hbm>> -> memref<1x128x128xf32, #tpu.memory_space<hbm>>
      %dma_wait3A_127 = tpu.memref_squeeze %dma_wait3A_126 : memref<1x128x128xf32, #tpu.memory_space<hbm>> -> memref<128x128xf32, #tpu.memory_space<hbm>>
      %dma_wait3A_128 = arith.constant 0 : i32
      %dma_wait3A_129 = tpu.memref_slice %arg4[%add3A_112, %mul3A_2, %dma_wait3A_128] : memref<50x4096x128xf32, #tpu.memory_space<hbm>> -> memref<1x128x128xf32, #tpu.memory_space<hbm>>
      %dma_wait3A_130 = tpu.memref_squeeze %dma_wait3A_129 : memref<1x128x128xf32, #tpu.memory_space<hbm>> -> memref<128x128xf32, #tpu.memory_space<hbm>>
      tpu.wait_dma2 semaphore(%arg17 : memref<!tpu.dma_semaphore, #tpu.memory_space<semaphore_mem>>) src(%arg7 : memref<128x128xf32, #tpu.memory_space<vmem>>) dst(%dma_wait3A_130 : memref<128x128xf32, #tpu.memory_space<hbm>>)
      %add3A_131 = arith.constant 5 : i32
      %add3A_132 = arith.addi %add3A_112, %add3A_131 : i32
      %dma_start3A_133 = arith.constant 0 : i32
      %dma_start3A_134 = tpu.memref_slice %arg5[%add3A_132, %dma_start3A_133] : memref<50x128xi32, #tpu.memory_space<vmem>> -> memref<1x128xi32, #tpu.memory_space<vmem>>
      %dma_start3A_135 = tpu.memref_squeeze %dma_start3A_134 : memref<1x128xi32, #tpu.memory_space<vmem>> -> memref<128xi32, #tpu.memory_space<vmem>>
      %dma_start3A_136 = arith.constant 0 : i32
      %dma_start3A_137 = arith.constant 0 : i32
      %dma_start3A_138 = tpu.memref_slice %arg3[%dma_start3A_136, %dma_start3A_137] : memref<100000x128xf32, #tpu.memory_space<hbm>> -> memref<100000x128xf32, #tpu.memory_space<hbm>>
      tpu.enqueue_indirect_dma source(%dma_start3A_138 : memref<100000x128xf32, #tpu.memory_space<hbm>>) target(%arg7 : memref<128x128xf32, #tpu.memory_space<vmem>>) offsets(%dma_start3A_135 : memref<128xi32, #tpu.memory_space<vmem>>) semaphore(%arg12 : memref<!tpu.dma_semaphore, #tpu.memory_space<semaphore_mem>>)
      %add3A_139 = arith.constant 2 : i32
      %add3A_140 = arith.addi %mul3A_82, %add3A_139 : i32
      %dma_wait3A_141 = arith.constant 0 : i32
      %dma_wait3A_142 = tpu.memref_slice %arg5[%add3A_140, %dma_wait3A_141] : memref<50x128xi32, #tpu.memory_space<vmem>> -> memref<1x128xi32, #tpu.memory_space<vmem>>
      %dma_wait3A_143 = tpu.memref_squeeze %dma_wait3A_142 : memref<1x128xi32, #tpu.memory_space<vmem>> -> memref<128xi32, #tpu.memory_space<vmem>>
      %dma_wait3A_144 = arith.constant 0 : i32
      %dma_wait3A_145 = arith.constant 0 : i32
      %dma_wait3A_146 = tpu.memref_slice %arg3[%dma_wait3A_144, %dma_wait3A_145] : memref<100000x128xf32, #tpu.memory_space<hbm>> -> memref<100000x128xf32, #tpu.memory_space<hbm>>
      tpu.wait_indirect_dma semaphore(%arg13 : memref<!tpu.dma_semaphore, #tpu.memory_space<semaphore_mem>>) src(%dma_wait3A_146 : memref<100000x128xf32, #tpu.memory_space<hbm>>) dst(%arg8 : memref<128x128xf32, #tpu.memory_space<vmem>>)
      %dma_start3A_147 = arith.constant 0 : i32
      %dma_start3A_148 = tpu.memref_slice %arg4[%add3A_140, %mul3A_2, %dma_start3A_147] : memref<50x4096x128xf32, #tpu.memory_space<hbm>> -> memref<1x128x128xf32, #tpu.memory_space<hbm>>
      %dma_start3A_149 = tpu.memref_squeeze %dma_start3A_148 : memref<1x128x128xf32, #tpu.memory_space<hbm>> -> memref<128x128xf32, #tpu.memory_space<hbm>>
      %dma_start3A_150 = arith.constant 0 : i32
      %dma_start3A_151 = tpu.memref_slice %arg4[%add3A_140, %mul3A_2, %dma_start3A_150] : memref<50x4096x128xf32, #tpu.memory_space<hbm>> -> memref<1x128x128xf32, #tpu.memory_space<hbm>>
      %dma_start3A_152 = tpu.memref_squeeze %dma_start3A_151 : memref<1x128x128xf32, #tpu.memory_space<hbm>> -> memref<128x128xf32, #tpu.memory_space<hbm>>
      tpu.enqueue_dma source(%arg8 : memref<128x128xf32, #tpu.memory_space<vmem>>) target(%dma_start3A_152 : memref<128x128xf32, #tpu.memory_space<hbm>>) target_semaphore(%arg18 : memref<!tpu.dma_semaphore, #tpu.memory_space<semaphore_mem>>)
      %dma_wait3A_153 = arith.constant 0 : i32
      %dma_wait3A_154 = tpu.memref_slice %arg4[%add3A_140, %mul3A_2, %dma_wait3A_153] : memref<50x4096x128xf32, #tpu.memory_space<hbm>> -> memref<1x128x128xf32, #tpu.memory_space<hbm>>
      %dma_wait3A_155 = tpu.memref_squeeze %dma_wait3A_154 : memref<1x128x128xf32, #tpu.memory_space<hbm>> -> memref<128x128xf32, #tpu.memory_space<hbm>>
      %dma_wait3A_156 = arith.constant 0 : i32
      %dma_wait3A_157 = tpu.memref_slice %arg4[%add3A_140, %mul3A_2, %dma_wait3A_156] : memref<50x4096x128xf32, #tpu.memory_space<hbm>> -> memref<1x128x128xf32, #tpu.memory_space<hbm>>
      %dma_wait3A_158 = tpu.memref_squeeze %dma_wait3A_157 : memref<1x128x128xf32, #tpu.memory_space<hbm>> -> memref<128x128xf32, #tpu.memory_space<hbm>>
      tpu.wait_dma2 semaphore(%arg18 : memref<!tpu.dma_semaphore, #tpu.memory_space<semaphore_mem>>) src(%arg8 : memref<128x128xf32, #tpu.memory_space<vmem>>) dst(%dma_wait3A_158 : memref<128x128xf32, #tpu.memory_space<hbm>>)
      %add3A_159 = arith.constant 5 : i32
      %add3A_160 = arith.addi %add3A_140, %add3A_159 : i32
      %dma_start3A_161 = arith.constant 0 : i32
      %dma_start3A_162 = tpu.memref_slice %arg5[%add3A_160, %dma_start3A_161] : memref<50x128xi32, #tpu.memory_space<vmem>> -> memref<1x128xi32, #tpu.memory_space<vmem>>
      %dma_start3A_163 = tpu.memref_squeeze %dma_start3A_162 : memref<1x128xi32, #tpu.memory_space<vmem>> -> memref<128xi32, #tpu.memory_space<vmem>>
      %dma_start3A_164 = arith.constant 0 : i32
      %dma_start3A_165 = arith.constant 0 : i32
      %dma_start3A_166 = tpu.memref_slice %arg3[%dma_start3A_164, %dma_start3A_165] : memref<100000x128xf32, #tpu.memory_space<hbm>> -> memref<100000x128xf32, #tpu.memory_space<hbm>>
      tpu.enqueue_indirect_dma source(%dma_start3A_166 : memref<100000x128xf32, #tpu.memory_space<hbm>>) target(%arg8 : memref<128x128xf32, #tpu.memory_space<vmem>>) offsets(%dma_start3A_163 : memref<128xi32, #tpu.memory_space<vmem>>) semaphore(%arg13 : memref<!tpu.dma_semaphore, #tpu.memory_space<semaphore_mem>>)
      %add3A_167 = arith.constant 3 : i32
      %add3A_168 = arith.addi %mul3A_82, %add3A_167 : i32
      %dma_wait3A_169 = arith.constant 0 : i32
      %dma_wait3A_170 = tpu.memref_slice %arg5[%add3A_168, %dma_wait3A_169] : memref<50x128xi32, #tpu.memory_space<vmem>> -> memref<1x128xi32, #tpu.memory_space<vmem>>
      %dma_wait3A_171 = tpu.memref_squeeze %dma_wait3A_170 : memref<1x128xi32, #tpu.memory_space<vmem>> -> memref<128xi32, #tpu.memory_space<vmem>>
      %dma_wait3A_172 = arith.constant 0 : i32
      %dma_wait3A_173 = arith.constant 0 : i32
      %dma_wait3A_174 = tpu.memref_slice %arg3[%dma_wait3A_172, %dma_wait3A_173] : memref<100000x128xf32, #tpu.memory_space<hbm>> -> memref<100000x128xf32, #tpu.memory_space<hbm>>
      tpu.wait_indirect_dma semaphore(%arg14 : memref<!tpu.dma_semaphore, #tpu.memory_space<semaphore_mem>>) src(%dma_wait3A_174 : memref<100000x128xf32, #tpu.memory_space<hbm>>) dst(%arg9 : memref<128x128xf32, #tpu.memory_space<vmem>>)
      %dma_start3A_175 = arith.constant 0 : i32
      %dma_start3A_176 = tpu.memref_slice %arg4[%add3A_168, %mul3A_2, %dma_start3A_175] : memref<50x4096x128xf32, #tpu.memory_space<hbm>> -> memref<1x128x128xf32, #tpu.memory_space<hbm>>
      %dma_start3A_177 = tpu.memref_squeeze %dma_start3A_176 : memref<1x128x128xf32, #tpu.memory_space<hbm>> -> memref<128x128xf32, #tpu.memory_space<hbm>>
      %dma_start3A_178 = arith.constant 0 : i32
      %dma_start3A_179 = tpu.memref_slice %arg4[%add3A_168, %mul3A_2, %dma_start3A_178] : memref<50x4096x128xf32, #tpu.memory_space<hbm>> -> memref<1x128x128xf32, #tpu.memory_space<hbm>>
      %dma_start3A_180 = tpu.memref_squeeze %dma_start3A_179 : memref<1x128x128xf32, #tpu.memory_space<hbm>> -> memref<128x128xf32, #tpu.memory_space<hbm>>
      tpu.enqueue_dma source(%arg9 : memref<128x128xf32, #tpu.memory_space<vmem>>) target(%dma_start3A_180 : memref<128x128xf32, #tpu.memory_space<hbm>>) target_semaphore(%arg19 : memref<!tpu.dma_semaphore, #tpu.memory_space<semaphore_mem>>)
      %dma_wait3A_181 = arith.constant 0 : i32
      %dma_wait3A_182 = tpu.memref_slice %arg4[%add3A_168, %mul3A_2, %dma_wait3A_181] : memref<50x4096x128xf32, #tpu.memory_space<hbm>> -> memref<1x128x128xf32, #tpu.memory_space<hbm>>
      %dma_wait3A_183 = tpu.memref_squeeze %dma_wait3A_182 : memref<1x128x128xf32, #tpu.memory_space<hbm>> -> memref<128x128xf32, #tpu.memory_space<hbm>>
      %dma_wait3A_184 = arith.constant 0 : i32
      %dma_wait3A_185 = tpu.memref_slice %arg4[%add3A_168, %mul3A_2, %dma_wait3A_184] : memref<50x4096x128xf32, #tpu.memory_space<hbm>> -> memref<1x128x128xf32, #tpu.memory_space<hbm>>
      %dma_wait3A_186 = tpu.memref_squeeze %dma_wait3A_185 : memref<1x128x128xf32, #tpu.memory_space<hbm>> -> memref<128x128xf32, #tpu.memory_space<hbm>>
      tpu.wait_dma2 semaphore(%arg19 : memref<!tpu.dma_semaphore, #tpu.memory_space<semaphore_mem>>) src(%arg9 : memref<128x128xf32, #tpu.memory_space<vmem>>) dst(%dma_wait3A_186 : memref<128x128xf32, #tpu.memory_space<hbm>>)
      %add3A_187 = arith.constant 5 : i32
      %add3A_188 = arith.addi %add3A_168, %add3A_187 : i32
      %dma_start3A_189 = arith.constant 0 : i32
      %dma_start3A_190 = tpu.memref_slice %arg5[%add3A_188, %dma_start3A_189] : memref<50x128xi32, #tpu.memory_space<vmem>> -> memref<1x128xi32, #tpu.memory_space<vmem>>
      %dma_start3A_191 = tpu.memref_squeeze %dma_start3A_190 : memref<1x128xi32, #tpu.memory_space<vmem>> -> memref<128xi32, #tpu.memory_space<vmem>>
      %dma_start3A_192 = arith.constant 0 : i32
      %dma_start3A_193 = arith.constant 0 : i32
      %dma_start3A_194 = tpu.memref_slice %arg3[%dma_start3A_192, %dma_start3A_193] : memref<100000x128xf32, #tpu.memory_space<hbm>> -> memref<100000x128xf32, #tpu.memory_space<hbm>>
      tpu.enqueue_indirect_dma source(%dma_start3A_194 : memref<100000x128xf32, #tpu.memory_space<hbm>>) target(%arg9 : memref<128x128xf32, #tpu.memory_space<vmem>>) offsets(%dma_start3A_191 : memref<128xi32, #tpu.memory_space<vmem>>) semaphore(%arg14 : memref<!tpu.dma_semaphore, #tpu.memory_space<semaphore_mem>>)
      %add3A_195 = arith.constant 4 : i32
      %add3A_196 = arith.addi %mul3A_82, %add3A_195 : i32
      %dma_wait3A_197 = arith.constant 0 : i32
      %dma_wait3A_198 = tpu.memref_slice %arg5[%add3A_196, %dma_wait3A_197] : memref<50x128xi32, #tpu.memory_space<vmem>> -> memref<1x128xi32, #tpu.memory_space<vmem>>
      %dma_wait3A_199 = tpu.memref_squeeze %dma_wait3A_198 : memref<1x128xi32, #tpu.memory_space<vmem>> -> memref<128xi32, #tpu.memory_space<vmem>>
      %dma_wait3A_200 = arith.constant 0 : i32
      %dma_wait3A_201 = arith.constant 0 : i32
      %dma_wait3A_202 = tpu.memref_slice %arg3[%dma_wait3A_200, %dma_wait3A_201] : memref<100000x128xf32, #tpu.memory_space<hbm>> -> memref<100000x128xf32, #tpu.memory_space<hbm>>
      tpu.wait_indirect_dma semaphore(%arg15 : memref<!tpu.dma_semaphore, #tpu.memory_space<semaphore_mem>>) src(%dma_wait3A_202 : memref<100000x128xf32, #tpu.memory_space<hbm>>) dst(%arg10 : memref<128x128xf32, #tpu.memory_space<vmem>>)
      %dma_start3A_203 = arith.constant 0 : i32
      %dma_start3A_204 = tpu.memref_slice %arg4[%add3A_196, %mul3A_2, %dma_start3A_203] : memref<50x4096x128xf32, #tpu.memory_space<hbm>> -> memref<1x128x128xf32, #tpu.memory_space<hbm>>
      %dma_start3A_205 = tpu.memref_squeeze %dma_start3A_204 : memref<1x128x128xf32, #tpu.memory_space<hbm>> -> memref<128x128xf32, #tpu.memory_space<hbm>>
      %dma_start3A_206 = arith.constant 0 : i32
      %dma_start3A_207 = tpu.memref_slice %arg4[%add3A_196, %mul3A_2, %dma_start3A_206] : memref<50x4096x128xf32, #tpu.memory_space<hbm>> -> memref<1x128x128xf32, #tpu.memory_space<hbm>>
      %dma_start3A_208 = tpu.memref_squeeze %dma_start3A_207 : memref<1x128x128xf32, #tpu.memory_space<hbm>> -> memref<128x128xf32, #tpu.memory_space<hbm>>
      tpu.enqueue_dma source(%arg10 : memref<128x128xf32, #tpu.memory_space<vmem>>) target(%dma_start3A_208 : memref<128x128xf32, #tpu.memory_space<hbm>>) target_semaphore(%arg20 : memref<!tpu.dma_semaphore, #tpu.memory_space<semaphore_mem>>)
      %dma_wait3A_209 = arith.constant 0 : i32
      %dma_wait3A_210 = tpu.memref_slice %arg4[%add3A_196, %mul3A_2, %dma_wait3A_209] : memref<50x4096x128xf32, #tpu.memory_space<hbm>> -> memref<1x128x128xf32, #tpu.memory_space<hbm>>
      %dma_wait3A_211 = tpu.memref_squeeze %dma_wait3A_210 : memref<1x128x128xf32, #tpu.memory_space<hbm>> -> memref<128x128xf32, #tpu.memory_space<hbm>>
      %dma_wait3A_212 = arith.constant 0 : i32
      %dma_wait3A_213 = tpu.memref_slice %arg4[%add3A_196, %mul3A_2, %dma_wait3A_212] : memref<50x4096x128xf32, #tpu.memory_space<hbm>> -> memref<1x128x128xf32, #tpu.memory_space<hbm>>
      %dma_wait3A_214 = tpu.memref_squeeze %dma_wait3A_213 : memref<1x128x128xf32, #tpu.memory_space<hbm>> -> memref<128x128xf32, #tpu.memory_space<hbm>>
      tpu.wait_dma2 semaphore(%arg20 : memref<!tpu.dma_semaphore, #tpu.memory_space<semaphore_mem>>) src(%arg10 : memref<128x128xf32, #tpu.memory_space<vmem>>) dst(%dma_wait3A_214 : memref<128x128xf32, #tpu.memory_space<hbm>>)
      %add3A_215 = arith.constant 5 : i32
      %add3A_216 = arith.addi %add3A_196, %add3A_215 : i32
      %dma_start3A_217 = arith.constant 0 : i32
      %dma_start3A_218 = tpu.memref_slice %arg5[%add3A_216, %dma_start3A_217] : memref<50x128xi32, #tpu.memory_space<vmem>> -> memref<1x128xi32, #tpu.memory_space<vmem>>
      %dma_start3A_219 = tpu.memref_squeeze %dma_start3A_218 : memref<1x128xi32, #tpu.memory_space<vmem>> -> memref<128xi32, #tpu.memory_space<vmem>>
      %dma_start3A_220 = arith.constant 0 : i32
      %dma_start3A_221 = arith.constant 0 : i32
      %dma_start3A_222 = tpu.memref_slice %arg3[%dma_start3A_220, %dma_start3A_221] : memref<100000x128xf32, #tpu.memory_space<hbm>> -> memref<100000x128xf32, #tpu.memory_space<hbm>>
      tpu.enqueue_indirect_dma source(%dma_start3A_222 : memref<100000x128xf32, #tpu.memory_space<hbm>>) target(%arg10 : memref<128x128xf32, #tpu.memory_space<vmem>>) offsets(%dma_start3A_219 : memref<128xi32, #tpu.memory_space<vmem>>) semaphore(%arg15 : memref<!tpu.dma_semaphore, #tpu.memory_space<semaphore_mem>>)
    }
    %scan3A_41 = arith.constant 9 : i32
    %dma_wait3A = arith.constant 45 : i32
    %dma_wait3A_42 = arith.constant 0 : i32
    %dma_wait3A_43 = tpu.memref_slice %arg5[%dma_wait3A, %dma_wait3A_42] : memref<50x128xi32, #tpu.memory_space<vmem>> -> memref<1x128xi32, #tpu.memory_space<vmem>>
    %dma_wait3A_44 = tpu.memref_squeeze %dma_wait3A_43 : memref<1x128xi32, #tpu.memory_space<vmem>> -> memref<128xi32, #tpu.memory_space<vmem>>
    %dma_wait3A_45 = arith.constant 0 : i32
    %dma_wait3A_46 = arith.constant 0 : i32
    %dma_wait3A_47 = tpu.memref_slice %arg3[%dma_wait3A_45, %dma_wait3A_46] : memref<100000x128xf32, #tpu.memory_space<hbm>> -> memref<100000x128xf32, #tpu.memory_space<hbm>>
    tpu.wait_indirect_dma semaphore(%arg11 : memref<!tpu.dma_semaphore, #tpu.memory_space<semaphore_mem>>) src(%dma_wait3A_47 : memref<100000x128xf32, #tpu.memory_space<hbm>>) dst(%arg6 : memref<128x128xf32, #tpu.memory_space<vmem>>)
    %run_scoped3A = arith.constant 45 : i32
    "tpu.region"() ({
      %run_scoped3A_80 = tpu.sem_alloc : memref<!tpu.dma_semaphore, #tpu.memory_space<semaphore_mem>>
      %dma_start3A_81 = arith.constant 0 : i32
      %dma_start3A_82 = tpu.memref_slice %arg4[%run_scoped3A, %mul3A_2, %dma_start3A_81] : memref<50x4096x128xf32, #tpu.memory_space<hbm>> -> memref<1x128x128xf32, #tpu.memory_space<hbm>>
      %dma_start3A_83 = tpu.memref_squeeze %dma_start3A_82 : memref<1x128x128xf32, #tpu.memory_space<hbm>> -> memref<128x128xf32, #tpu.memory_space<hbm>>
      %dma_start3A_84 = arith.constant 0 : i32
      %dma_start3A_85 = tpu.memref_slice %arg4[%run_scoped3A, %mul3A_2, %dma_start3A_84] : memref<50x4096x128xf32, #tpu.memory_space<hbm>> -> memref<1x128x128xf32, #tpu.memory_space<hbm>>
      %dma_start3A_86 = tpu.memref_squeeze %dma_start3A_85 : memref<1x128x128xf32, #tpu.memory_space<hbm>> -> memref<128x128xf32, #tpu.memory_space<hbm>>
      tpu.enqueue_dma source(%arg6 : memref<128x128xf32, #tpu.memory_space<vmem>>) target(%dma_start3A_86 : memref<128x128xf32, #tpu.memory_space<hbm>>) target_semaphore(%run_scoped3A_80 : memref<!tpu.dma_semaphore, #tpu.memory_space<semaphore_mem>>)
      %dma_wait3A_87 = arith.constant 0 : i32
      %dma_wait3A_88 = tpu.memref_slice %arg4[%run_scoped3A, %mul3A_2, %dma_wait3A_87] : memref<50x4096x128xf32, #tpu.memory_space<hbm>> -> memref<1x128x128xf32, #tpu.memory_space<hbm>>
      %dma_wait3A_89 = tpu.memref_squeeze %dma_wait3A_88 : memref<1x128x128xf32, #tpu.memory_space<hbm>> -> memref<128x128xf32, #tpu.memory_space<hbm>>
      %dma_wait3A_90 = arith.constant 0 : i32
      %dma_wait3A_91 = tpu.memref_slice %arg4[%run_scoped3A, %mul3A_2, %dma_wait3A_90] : memref<50x4096x128xf32, #tpu.memory_space<hbm>> -> memref<1x128x128xf32, #tpu.memory_space<hbm>>
      %dma_wait3A_92 = tpu.memref_squeeze %dma_wait3A_91 : memref<1x128x128xf32, #tpu.memory_space<hbm>> -> memref<128x128xf32, #tpu.memory_space<hbm>>
      tpu.wait_dma2 semaphore(%run_scoped3A_80 : memref<!tpu.dma_semaphore, #tpu.memory_space<semaphore_mem>>) src(%arg6 : memref<128x128xf32, #tpu.memory_space<vmem>>) dst(%dma_wait3A_92 : memref<128x128xf32, #tpu.memory_space<hbm>>)
      tpu.yield
    }) : () -> ()
    %dma_wait3A_48 = arith.constant 46 : i32
    %dma_wait3A_49 = arith.constant 0 : i32
    %dma_wait3A_50 = tpu.memref_slice %arg5[%dma_wait3A_48, %dma_wait3A_49] : memref<50x128xi32, #tpu.memory_space<vmem>> -> memref<1x128xi32, #tpu.memory_space<vmem>>
    %dma_wait3A_51 = tpu.memref_squeeze %dma_wait3A_50 : memref<1x128xi32, #tpu.memory_space<vmem>> -> memref<128xi32, #tpu.memory_space<vmem>>
    %dma_wait3A_52 = arith.constant 0 : i32
    %dma_wait3A_53 = arith.constant 0 : i32
    %dma_wait3A_54 = tpu.memref_slice %arg3[%dma_wait3A_52, %dma_wait3A_53] : memref<100000x128xf32, #tpu.memory_space<hbm>> -> memref<100000x128xf32, #tpu.memory_space<hbm>>
    tpu.wait_indirect_dma semaphore(%arg12 : memref<!tpu.dma_semaphore, #tpu.memory_space<semaphore_mem>>) src(%dma_wait3A_54 : memref<100000x128xf32, #tpu.memory_space<hbm>>) dst(%arg7 : memref<128x128xf32, #tpu.memory_space<vmem>>)
    %run_scoped3A_55 = arith.constant 46 : i32
    "tpu.region"() ({
      %run_scoped3A_80 = tpu.sem_alloc : memref<!tpu.dma_semaphore, #tpu.memory_space<semaphore_mem>>
      %dma_start3A_81 = arith.constant 0 : i32
      %dma_start3A_82 = tpu.memref_slice %arg4[%run_scoped3A_55, %mul3A_2, %dma_start3A_81] : memref<50x4096x128xf32, #tpu.memory_space<hbm>> -> memref<1x128x128xf32, #tpu.memory_space<hbm>>
      %dma_start3A_83 = tpu.memref_squeeze %dma_start3A_82 : memref<1x128x128xf32, #tpu.memory_space<hbm>> -> memref<128x128xf32, #tpu.memory_space<hbm>>
      %dma_start3A_84 = arith.constant 0 : i32
      %dma_start3A_85 = tpu.memref_slice %arg4[%run_scoped3A_55, %mul3A_2, %dma_start3A_84] : memref<50x4096x128xf32, #tpu.memory_space<hbm>> -> memref<1x128x128xf32, #tpu.memory_space<hbm>>
      %dma_start3A_86 = tpu.memref_squeeze %dma_start3A_85 : memref<1x128x128xf32, #tpu.memory_space<hbm>> -> memref<128x128xf32, #tpu.memory_space<hbm>>
      tpu.enqueue_dma source(%arg7 : memref<128x128xf32, #tpu.memory_space<vmem>>) target(%dma_start3A_86 : memref<128x128xf32, #tpu.memory_space<hbm>>) target_semaphore(%run_scoped3A_80 : memref<!tpu.dma_semaphore, #tpu.memory_space<semaphore_mem>>)
      %dma_wait3A_87 = arith.constant 0 : i32
      %dma_wait3A_88 = tpu.memref_slice %arg4[%run_scoped3A_55, %mul3A_2, %dma_wait3A_87] : memref<50x4096x128xf32, #tpu.memory_space<hbm>> -> memref<1x128x128xf32, #tpu.memory_space<hbm>>
      %dma_wait3A_89 = tpu.memref_squeeze %dma_wait3A_88 : memref<1x128x128xf32, #tpu.memory_space<hbm>> -> memref<128x128xf32, #tpu.memory_space<hbm>>
      %dma_wait3A_90 = arith.constant 0 : i32
      %dma_wait3A_91 = tpu.memref_slice %arg4[%run_scoped3A_55, %mul3A_2, %dma_wait3A_90] : memref<50x4096x128xf32, #tpu.memory_space<hbm>> -> memref<1x128x128xf32, #tpu.memory_space<hbm>>
      %dma_wait3A_92 = tpu.memref_squeeze %dma_wait3A_91 : memref<1x128x128xf32, #tpu.memory_space<hbm>> -> memref<128x128xf32, #tpu.memory_space<hbm>>
      tpu.wait_dma2 semaphore(%run_scoped3A_80 : memref<!tpu.dma_semaphore, #tpu.memory_space<semaphore_mem>>) src(%arg7 : memref<128x128xf32, #tpu.memory_space<vmem>>) dst(%dma_wait3A_92 : memref<128x128xf32, #tpu.memory_space<hbm>>)
      tpu.yield
    }) : () -> ()
    %dma_wait3A_56 = arith.constant 47 : i32
    %dma_wait3A_57 = arith.constant 0 : i32
    %dma_wait3A_58 = tpu.memref_slice %arg5[%dma_wait3A_56, %dma_wait3A_57] : memref<50x128xi32, #tpu.memory_space<vmem>> -> memref<1x128xi32, #tpu.memory_space<vmem>>
    %dma_wait3A_59 = tpu.memref_squeeze %dma_wait3A_58 : memref<1x128xi32, #tpu.memory_space<vmem>> -> memref<128xi32, #tpu.memory_space<vmem>>
    %dma_wait3A_60 = arith.constant 0 : i32
    %dma_wait3A_61 = arith.constant 0 : i32
    %dma_wait3A_62 = tpu.memref_slice %arg3[%dma_wait3A_60, %dma_wait3A_61] : memref<100000x128xf32, #tpu.memory_space<hbm>> -> memref<100000x128xf32, #tpu.memory_space<hbm>>
    tpu.wait_indirect_dma semaphore(%arg13 : memref<!tpu.dma_semaphore, #tpu.memory_space<semaphore_mem>>) src(%dma_wait3A_62 : memref<100000x128xf32, #tpu.memory_space<hbm>>) dst(%arg8 : memref<128x128xf32, #tpu.memory_space<vmem>>)
    %run_scoped3A_63 = arith.constant 47 : i32
    "tpu.region"() ({
      %run_scoped3A_80 = tpu.sem_alloc : memref<!tpu.dma_semaphore, #tpu.memory_space<semaphore_mem>>
      %dma_start3A_81 = arith.constant 0 : i32
      %dma_start3A_82 = tpu.memref_slice %arg4[%run_scoped3A_63, %mul3A_2, %dma_start3A_81] : memref<50x4096x128xf32, #tpu.memory_space<hbm>> -> memref<1x128x128xf32, #tpu.memory_space<hbm>>
      %dma_start3A_83 = tpu.memref_squeeze %dma_start3A_82 : memref<1x128x128xf32, #tpu.memory_space<hbm>> -> memref<128x128xf32, #tpu.memory_space<hbm>>
      %dma_start3A_84 = arith.constant 0 : i32
      %dma_start3A_85 = tpu.memref_slice %arg4[%run_scoped3A_63, %mul3A_2, %dma_start3A_84] : memref<50x4096x128xf32, #tpu.memory_space<hbm>> -> memref<1x128x128xf32, #tpu.memory_space<hbm>>
      %dma_start3A_86 = tpu.memref_squeeze %dma_start3A_85 : memref<1x128x128xf32, #tpu.memory_space<hbm>> -> memref<128x128xf32, #tpu.memory_space<hbm>>
      tpu.enqueue_dma source(%arg8 : memref<128x128xf32, #tpu.memory_space<vmem>>) target(%dma_start3A_86 : memref<128x128xf32, #tpu.memory_space<hbm>>) target_semaphore(%run_scoped3A_80 : memref<!tpu.dma_semaphore, #tpu.memory_space<semaphore_mem>>)
      %dma_wait3A_87 = arith.constant 0 : i32
      %dma_wait3A_88 = tpu.memref_slice %arg4[%run_scoped3A_63, %mul3A_2, %dma_wait3A_87] : memref<50x4096x128xf32, #tpu.memory_space<hbm>> -> memref<1x128x128xf32, #tpu.memory_space<hbm>>
      %dma_wait3A_89 = tpu.memref_squeeze %dma_wait3A_88 : memref<1x128x128xf32, #tpu.memory_space<hbm>> -> memref<128x128xf32, #tpu.memory_space<hbm>>
      %dma_wait3A_90 = arith.constant 0 : i32
      %dma_wait3A_91 = tpu.memref_slice %arg4[%run_scoped3A_63, %mul3A_2, %dma_wait3A_90] : memref<50x4096x128xf32, #tpu.memory_space<hbm>> -> memref<1x128x128xf32, #tpu.memory_space<hbm>>
      %dma_wait3A_92 = tpu.memref_squeeze %dma_wait3A_91 : memref<1x128x128xf32, #tpu.memory_space<hbm>> -> memref<128x128xf32, #tpu.memory_space<hbm>>
      tpu.wait_dma2 semaphore(%run_scoped3A_80 : memref<!tpu.dma_semaphore, #tpu.memory_space<semaphore_mem>>) src(%arg8 : memref<128x128xf32, #tpu.memory_space<vmem>>) dst(%dma_wait3A_92 : memref<128x128xf32, #tpu.memory_space<hbm>>)
      tpu.yield
    }) : () -> ()
    %dma_wait3A_64 = arith.constant 48 : i32
    %dma_wait3A_65 = arith.constant 0 : i32
    %dma_wait3A_66 = tpu.memref_slice %arg5[%dma_wait3A_64, %dma_wait3A_65] : memref<50x128xi32, #tpu.memory_space<vmem>> -> memref<1x128xi32, #tpu.memory_space<vmem>>
    %dma_wait3A_67 = tpu.memref_squeeze %dma_wait3A_66 : memref<1x128xi32, #tpu.memory_space<vmem>> -> memref<128xi32, #tpu.memory_space<vmem>>
    %dma_wait3A_68 = arith.constant 0 : i32
    %dma_wait3A_69 = arith.constant 0 : i32
    %dma_wait3A_70 = tpu.memref_slice %arg3[%dma_wait3A_68, %dma_wait3A_69] : memref<100000x128xf32, #tpu.memory_space<hbm>> -> memref<100000x128xf32, #tpu.memory_space<hbm>>
    tpu.wait_indirect_dma semaphore(%arg14 : memref<!tpu.dma_semaphore, #tpu.memory_space<semaphore_mem>>) src(%dma_wait3A_70 : memref<100000x128xf32, #tpu.memory_space<hbm>>) dst(%arg9 : memref<128x128xf32, #tpu.memory_space<vmem>>)
    %run_scoped3A_71 = arith.constant 48 : i32
    "tpu.region"() ({
      %run_scoped3A_80 = tpu.sem_alloc : memref<!tpu.dma_semaphore, #tpu.memory_space<semaphore_mem>>
      %dma_start3A_81 = arith.constant 0 : i32
      %dma_start3A_82 = tpu.memref_slice %arg4[%run_scoped3A_71, %mul3A_2, %dma_start3A_81] : memref<50x4096x128xf32, #tpu.memory_space<hbm>> -> memref<1x128x128xf32, #tpu.memory_space<hbm>>
      %dma_start3A_83 = tpu.memref_squeeze %dma_start3A_82 : memref<1x128x128xf32, #tpu.memory_space<hbm>> -> memref<128x128xf32, #tpu.memory_space<hbm>>
      %dma_start3A_84 = arith.constant 0 : i32
      %dma_start3A_85 = tpu.memref_slice %arg4[%run_scoped3A_71, %mul3A_2, %dma_start3A_84] : memref<50x4096x128xf32, #tpu.memory_space<hbm>> -> memref<1x128x128xf32, #tpu.memory_space<hbm>>
      %dma_start3A_86 = tpu.memref_squeeze %dma_start3A_85 : memref<1x128x128xf32, #tpu.memory_space<hbm>> -> memref<128x128xf32, #tpu.memory_space<hbm>>
      tpu.enqueue_dma source(%arg9 : memref<128x128xf32, #tpu.memory_space<vmem>>) target(%dma_start3A_86 : memref<128x128xf32, #tpu.memory_space<hbm>>) target_semaphore(%run_scoped3A_80 : memref<!tpu.dma_semaphore, #tpu.memory_space<semaphore_mem>>)
      %dma_wait3A_87 = arith.constant 0 : i32
      %dma_wait3A_88 = tpu.memref_slice %arg4[%run_scoped3A_71, %mul3A_2, %dma_wait3A_87] : memref<50x4096x128xf32, #tpu.memory_space<hbm>> -> memref<1x128x128xf32, #tpu.memory_space<hbm>>
      %dma_wait3A_89 = tpu.memref_squeeze %dma_wait3A_88 : memref<1x128x128xf32, #tpu.memory_space<hbm>> -> memref<128x128xf32, #tpu.memory_space<hbm>>
      %dma_wait3A_90 = arith.constant 0 : i32
      %dma_wait3A_91 = tpu.memref_slice %arg4[%run_scoped3A_71, %mul3A_2, %dma_wait3A_90] : memref<50x4096x128xf32, #tpu.memory_space<hbm>> -> memref<1x128x128xf32, #tpu.memory_space<hbm>>
      %dma_wait3A_92 = tpu.memref_squeeze %dma_wait3A_91 : memref<1x128x128xf32, #tpu.memory_space<hbm>> -> memref<128x128xf32, #tpu.memory_space<hbm>>
      tpu.wait_dma2 semaphore(%run_scoped3A_80 : memref<!tpu.dma_semaphore, #tpu.memory_space<semaphore_mem>>) src(%arg9 : memref<128x128xf32, #tpu.memory_space<vmem>>) dst(%dma_wait3A_92 : memref<128x128xf32, #tpu.memory_space<hbm>>)
      tpu.yield
    }) : () -> ()
    %dma_wait3A_72 = arith.constant 49 : i32
    %dma_wait3A_73 = arith.constant 0 : i32
    %dma_wait3A_74 = tpu.memref_slice %arg5[%dma_wait3A_72, %dma_wait3A_73] : memref<50x128xi32, #tpu.memory_space<vmem>> -> memref<1x128xi32, #tpu.memory_space<vmem>>
    %dma_wait3A_75 = tpu.memref_squeeze %dma_wait3A_74 : memref<1x128xi32, #tpu.memory_space<vmem>> -> memref<128xi32, #tpu.memory_space<vmem>>
    %dma_wait3A_76 = arith.constant 0 : i32
    %dma_wait3A_77 = arith.constant 0 : i32
    %dma_wait3A_78 = tpu.memref_slice %arg3[%dma_wait3A_76, %dma_wait3A_77] : memref<100000x128xf32, #tpu.memory_space<hbm>> -> memref<100000x128xf32, #tpu.memory_space<hbm>>
    tpu.wait_indirect_dma semaphore(%arg15 : memref<!tpu.dma_semaphore, #tpu.memory_space<semaphore_mem>>) src(%dma_wait3A_78 : memref<100000x128xf32, #tpu.memory_space<hbm>>) dst(%arg10 : memref<128x128xf32, #tpu.memory_space<vmem>>)
    %run_scoped3A_79 = arith.constant 49 : i32
    "tpu.region"() ({
      %run_scoped3A_80 = tpu.sem_alloc : memref<!tpu.dma_semaphore, #tpu.memory_space<semaphore_mem>>
      %dma_start3A_81 = arith.constant 0 : i32
      %dma_start3A_82 = tpu.memref_slice %arg4[%run_scoped3A_79, %mul3A_2, %dma_start3A_81] : memref<50x4096x128xf32, #tpu.memory_space<hbm>> -> memref<1x128x128xf32, #tpu.memory_space<hbm>>
      %dma_start3A_83 = tpu.memref_squeeze %dma_start3A_82 : memref<1x128x128xf32, #tpu.memory_space<hbm>> -> memref<128x128xf32, #tpu.memory_space<hbm>>
      %dma_start3A_84 = arith.constant 0 : i32
      %dma_start3A_85 = tpu.memref_slice %arg4[%run_scoped3A_79, %mul3A_2, %dma_start3A_84] : memref<50x4096x128xf32, #tpu.memory_space<hbm>> -> memref<1x128x128xf32, #tpu.memory_space<hbm>>
      %dma_start3A_86 = tpu.memref_squeeze %dma_start3A_85 : memref<1x128x128xf32, #tpu.memory_space<hbm>> -> memref<128x128xf32, #tpu.memory_space<hbm>>
      tpu.enqueue_dma source(%arg10 : memref<128x128xf32, #tpu.memory_space<vmem>>) target(%dma_start3A_86 : memref<128x128xf32, #tpu.memory_space<hbm>>) target_semaphore(%run_scoped3A_80 : memref<!tpu.dma_semaphore, #tpu.memory_space<semaphore_mem>>)
      %dma_wait3A_87 = arith.constant 0 : i32
      %dma_wait3A_88 = tpu.memref_slice %arg4[%run_scoped3A_79, %mul3A_2, %dma_wait3A_87] : memref<50x4096x128xf32, #tpu.memory_space<hbm>> -> memref<1x128x128xf32, #tpu.memory_space<hbm>>
      %dma_wait3A_89 = tpu.memref_squeeze %dma_wait3A_88 : memref<1x128x128xf32, #tpu.memory_space<hbm>> -> memref<128x128xf32, #tpu.memory_space<hbm>>
      %dma_wait3A_90 = arith.constant 0 : i32
      %dma_wait3A_91 = tpu.memref_slice %arg4[%run_scoped3A_79, %mul3A_2, %dma_wait3A_90] : memref<50x4096x128xf32, #tpu.memory_space<hbm>> -> memref<1x128x128xf32, #tpu.memory_space<hbm>>
      %dma_wait3A_92 = tpu.memref_squeeze %dma_wait3A_91 : memref<1x128x128xf32, #tpu.memory_space<hbm>> -> memref<128x128xf32, #tpu.memory_space<hbm>>
      tpu.wait_dma2 semaphore(%run_scoped3A_80 : memref<!tpu.dma_semaphore, #tpu.memory_space<semaphore_mem>>) src(%arg10 : memref<128x128xf32, #tpu.memory_space<vmem>>) dst(%dma_wait3A_92 : memref<128x128xf32, #tpu.memory_space<hbm>>)
      tpu.yield
    }) : () -> ()
    return
  }
}

</mosaic_0001>

<sc_bundles>
// kernel: kernel.3.cloned.1.call-start
scs
__scs_entry_jumppad:
0x0: {  	(pc) =	sbr.rel $0x88, $3  }
0x1: {  	(tag) =	ssettag $0x0;
	lr =	simm.s32 $0x1  }
0x2: {  	[smem:$0x3F9F] =	sst lr;
	_ =	strace $0xD0000000  }
0x3: {  	_ = 	snop  }
0x4: {  	_ = 	snop  }
0x5: {  	_ = 	snop  }
0x6: {  	_ = 	snop  }
0x7: {  	_ = 	snop  }
__scs_overlays_trampoline_lowered:
0x8: {  	[smem:$0x3FAE] =	sst s0  }
0x9: {  	[smem:$0x3FAF] =	sst s1  }
0xa: {  	[smem:$0x3FB0] =	sst s2  }
0xb: {  	[smem:$0x3FB1] =	sst s3  }
0xc: {  	[smem:$0x3FB2] =	sst s4  }
0xd: {  	[smem:$0x3FB3] =	sst s5  }
0xe: {  	[smem:$0x3FB4] =	sst s6  }
0xf: {  	[smem:$0x3FB5] =	sst s7  }
0x10: {  	[smem:$0x3FB6] =	sst s8  }
0x11: {  	[smem:$0x3FB7] =	sst s9;
	s0 =	simm.s32 @!p0 $0x0  }
0x12: {  	s1 =	sld [smem:$0x3F9D];
	s0 =	simm.s32 @p0 $0x1  }
0x13: {  	[smem:$0x3FB8] =	sst s0;
	s0 =	simm.s32 @!p1 $0x0  }
0x14: {  	s2 =	sld [smem:$0x3F9C];
	s0 =	simm.s32 @p1 $0x1  }
0x15: {  	[smem:$0x3FB9] =	sst s0;
	s0 =	simm.s32 @!p2 $0x0  }
0x16: {  	s3 =	sld [smem:$0x3FDB];
	s0 =	simm.s32 @p2 $0x1  }
0x17: {  	s4 =	simm.s32 $0x1BF5;
	[smem:$0x3FBB] =	sst s0  }
0x18: {  	s0 =	sld [smem:$0x3F9E];
	_ =	swait.ge [sflag:s4], $0x0  }
0x19: {  	s7 =	sld [smem:$0x3F9F]  }
0x1a: {  	s8 =	sadd.s32 $0xFFFFE003, lr  }
0x1b: {  	s9 =	sadd.s32 $0xFFFFFEF7, lr;
	s5 =	simm.s32 $0xFFFFFFFF;
	p2 =	slt.u32 s8, $0xFFFFF086  }
0x1c: {  	p1 =	slt.u32 s9, $0xF7A;
	s5 =	simm.s32 @!p2 $0x0  }
0x1d: {  	s5 =	simm.s32 @p1 $0x1;
	p0 =	seq.s32 s7, s2  }
0x1e: {  	s7 =	smul.u32 @!p0 $0xF7A, s2;
	p2 =	seq.s32 @!p0 s5, $0x0  }
0x1f: {  	s9 =	smul.u32 $0xF7A, s1;
	s8 =	simm.s32 @!p0 $0x1BF5;
	p2 =	por !p2, p0  }
0x20: {  	[sflag:s8] =	ssyncset.s32 @!p0 $0xFFFFF086;
	s6 =	sadd.s32 @!p0 s3, s7;
	s7 =	simm.s32 @!p0 $0x108  }
0x21: {  	s3 =	sadd.s32 s3, s9;
	s6 =	sadd.s32 @!p0 $0x88, s6;
	s7 =	simm.s32 @p2 $0x1082  }
0x22: {  	[simem:s7], [sflag:s8] =	dma.local @!p0 [hbm:s6], $0xF7A  }
0x23: {  	s9 =	sor.u32 $0xD0000000, s2;
	s6 =	simm.s32 $0x108;
	_ =	swait.ge @!p0 [sflag:s8], $0x0  }
0x24: {  	s3 =	sadd.s32 $0x88, s3;
	s6 =	simm.s32 @!p1 $0x1082;
	[sflag:s4] =	ssyncset.s32 $0xFFFFF086  }
0x25: {  	[simem:s6], [sflag:s4] =	dma.local [hbm:s3], $0xF7A  }
0x26: {  	[smem:$0x3F9F] =	sst s1;
	(tag) =	ssettag s2;
	_ =	strace s9  }
0x27: {  	s1 =	sld [smem:$0x3FAF]  }
0x28: {  	s2 =	sld [smem:$0x3FB0]  }
0x29: {  	s4 =	sld [smem:$0x3FB2]  }
0x2a: {  	p0 =	seq.s32 s5, $0x0;
	s5 =	sld [smem:$0x3FB3]  }
0x2b: {  	s6 =	sld [smem:$0x3FB4]  }
0x2c: {  	s7 =	sld [smem:$0x3FB5]  }
0x2d: {  	s3 =	simm.s32 $0x108;
	s8 =	sld [smem:$0x3FB6]  }
0x2e: {  	s3 =	simm.s32 @!p0 $0x1082;
	s9 =	sld [smem:$0x3FB7]  }
0x2f: {  	lr =	sadd.s32 s0, s3;
	s0 =	sld [smem:$0x3FAE]  }
0x30: {  	s3 =	sld [smem:$0x3FB1]  }
0x31: {  	[smem:$0x3FBA] =	sst s10  }
0x32: {  	s10 =	sld [smem:$0x3FB8];
	_ =	sdelay $0x3  }
0x33: {  	p0 =	seq.s32 s10, $0x1;
	s10 =	sld [smem:$0x3FBA];
	_ =	sdelay $0x3  }
0x34: {  	[smem:$0x3FBA] =	sst s10  }
0x35: {  	s10 =	sld [smem:$0x3FB9];
	_ =	sdelay $0x3  }
0x36: {  	p1 =	seq.s32 s10, $0x1;
	s10 =	sld [smem:$0x3FBA];
	_ =	sdelay $0x3  }
0x37: {  	[smem:$0x3FBA] =	sst s10  }
0x38: {  	s10 =	sld [smem:$0x3FBB]  }
0x39: {  	_ = 	snop;
	(pc) =	sbr.ind lr, $3  }
0x3a: {  	_ = 	snop  }
0x3b: {  	_ = 	snop  }
0x3c: {  	p2 =	seq.s32 s10, $0x1;
	s10 =	sld [smem:$0x3FBA]  }
0x3d: {  	_ =	shalt  }
0x3e: {  	_ =	shalt  }
0x3f: {  	_ =	shalt  }
0x40: {  	_ =	shalt  }
0x41: {  	_ =	shalt  }
0x42: {  	_ =	shalt  }
0x43: {  	_ =	shalt  }
0x44: {  	_ =	shalt  }
0x45: {  	_ =	shalt  }
0x46: {  	_ =	shalt  }
0x47: {  	_ =	shalt  }
0x48: {  	_ =	shalt  }
0x49: {  	_ =	shalt  }
0x4a: {  	_ =	shalt  }
0x4b: {  	_ =	shalt  }
0x4c: {  	_ =	shalt  }
0x4d: {  	_ =	shalt  }
0x4e: {  	_ =	shalt  }
0x4f: {  	_ =	shalt  }
0x50: {  	_ =	shalt  }
0x51: {  	_ =	shalt  }
0x52: {  	_ =	shalt  }
0x53: {  	_ =	shalt  }
0x54: {  	_ =	shalt  }
0x55: {  	_ =	shalt  }
0x56: {  	_ =	shalt  }
0x57: {  	_ =	shalt  }
0x58: {  	_ =	shalt  }
0x59: {  	_ =	shalt  }
0x5a: {  	_ =	shalt  }
0x5b: {  	_ =	shalt  }
0x5c: {  	_ =	shalt  }
0x5d: {  	_ =	shalt  }
0x5e: {  	_ =	shalt  }
0x5f: {  	_ =	shalt  }
0x60: {  	_ =	shalt  }
0x61: {  	_ =	shalt  }
0x62: {  	_ =	shalt  }
0x63: {  	_ =	shalt  }
0x64: {  	_ =	shalt  }
0x65: {  	_ =	shalt  }
0x66: {  	_ =	shalt  }
0x67: {  	_ =	shalt  }
0x68: {  	_ =	shalt  }
0x69: {  	_ =	shalt  }
0x6a: {  	_ =	shalt  }
0x6b: {  	_ =	shalt  }
0x6c: {  	_ =	shalt  }
0x6d: {  	_ =	shalt  }
0x6e: {  	_ =	shalt  }
0x6f: {  	_ =	shalt  }
0x70: {  	_ =	shalt  }
0x71: {  	_ =	shalt  }
0x72: {  	_ =	shalt  }
0x73: {  	_ =	shalt  }
0x74: {  	_ =	shalt  }
0x75: {  	_ =	shalt  }
0x76: {  	_ =	shalt  }
0x77: {  	_ =	shalt  }
0x78: {  	_ =	shalt  }
0x79: {  	_ =	shalt  }
0x7a: {  	_ =	shalt  }
0x7b: {  	_ =	shalt  }
0x7c: {  	_ =	shalt  }
0x7d: {  	_ =	shalt  }
0x7e: {  	_ =	shalt  }
0x7f: {  	_ =	shalt  }
0x80: {  	_ =	shalt  }
0x81: {  	_ =	shalt  }
0x82: {  	_ =	shalt  }
0x83: {  	_ =	shalt  }
0x84: {  	_ =	shalt  }
0x85: {  	_ =	shalt  }
0x86: {  	_ =	shalt  }
0x87: {  	_ =	shalt  }
.Lfunc_end0:
.L_simem_size_0:
called_computation_lowered:
.L_overlay_start_0:
0x88: {  	s2 =	sld [smem:$0x3FD9]  }
0x89: {  	s3 =	sld [smem:$0x3FFE];
	_ =	sdelay $0x1  }
0x8a: {  	s1 =	srdreg.scid  }
0x8b: {  	s0 =	sand.u32 $0x1, s1  }
0x8c: {  	s18 =	sshll.u32 s0, $0xA;
	s2 =	sadd.s32 s3, s2  }
0x8d: {  	s2 =	sadd.s32 s2, s18  }
0x8e: {  	[smem:$0x3FC6] =	sst s2  }
0x8f: {  	_ = 	snop  }
0x90: {  	s2 =	sld [smem:$0x3FC9]  }
0x91: {  	s19 =	sld [smem:$0x3FC8]  }
0x92: {  	s4 =	sld [smem:$0x3FD0];
	(tm) =	ssettm $0x1  }
0x93: {  	s5 =	sld [smem:$0x3FFB];
	_ =	sdelay $0x3  }
0x94: {  	_ =	strace s5  }
0x95: {  	s5 =	sld [smem:$0x3FFC];
	_ =	sdelay $0x3  }
0x96: {  	_ =	strace s5  }
0x97: {  	s5 =	sld [smem:$0x3FFD];
	_ =	sdelay $0x3  }
0x98: {  	_ =	strace s5  }
0x99: {  	_ =	strace $0x8FFFFFFF  }
0x9a: {  	s20 =	sld [smem:$0x3FDB];
	_ =	sdelay $0x1  }
0x9b: {  	s6 =	simm.s32 $_scs_section_size  }
0x9c: {  	s7 =	simm.s32 $_size__tile_overlayer_lowered;
	s8 =	simm.s32 $_tile_overlayer_lowered  }
0x9d: {  	s23 =	simm.s32 $0x1BFF;
	s22 =	sshll.u32 s8, $0x1;
	s5 =	sadd.s32 s6, s20  }
0x9e: {  	s9 =	simm.s32 $0x0;
	s21 =	sshll.u32 s7, $0x1;
	s7 =	sadd.s32 s22, s5  }
0x9f: {  	[timem:s9], [sflag:s23] =	dma.local [hbm:s7], s21  }
0xa0: {  	_ =	swait.ge [sflag:s23], s21  }
0xa1: {  	s6 =	ssub.s32 $0x0, s21;
	[sflag:s23] =	ssyncset.done $0x0  }
0xa2: {  	[sflag:s23] =	ssyncadd.s32 s6;
	_ =	sdelay $0x1  }
0xa3: {  	s24 =	simm.s32 $0x1B8B  }
0xa4: {  	_ =	swait.ge [sflag:s24], $0x1  }
0xa5: {  	[sflag:s24] =	ssyncset.done $0x0  }
0xa6: {  	s25 =	simm.s32 $0x1B8E;
	[sflag:s24] =	ssyncadd.s32 $0xFFFFFFFF  }
0xa7: {  	s26 =	simm.s32 $execute0_lowered;
	[smem:$0x3FD2] =	sst s25  }
0xa8: {  	s6 =	sshll.u32 s26, $0x1;
	_ =	strace $0x80000046;
	[dreg:$0x1] =	wrdreg $0xFFFFFFFF  }
0xa9: {  	s28 =	simm.s32 $_size_execute0_lowered;
	s5 =	sadd.s32 s5, s6;
	[dreg:$0x0] =	wrdreg $0x0  }
0xaa: {  	s6 =	sshll.u32 s28, $0x1;
	[dreg:$0x2] =	wrdreg s5  }
0xab: {  	[dreg:$0x3] =	wrdreg s6  }
0xac: {  	[dreg:$0x4] =	wrdreg $0xC0  }
0xad: {  	_ =	task [dreg:s9], $0x5FFFF  }
0xae: {  	[dreg:$0x1] =	wrdreg $0xFFFFFFFF  }
0xaf: {  	[dreg:$0x0] =	wrdreg $0x60  }
0xb0: {  	[dreg:$0x2] =	wrdreg s2  }
0xb1: {  	[dreg:$0x3] =	wrdreg s19  }
0xb2: {  	[dreg:$0x4] =	wrdreg s4  }
0xb3: {  	[dreg:$0x5] =	wrdreg $0x9  }
0xb4: {  	_ =	task.clear_ibuf [dreg:s9], $0x6FFFF;
	_ =	strace $0x90000046  }
0xb5: {  	s29 =	simm.s32 $0x9;
	_ =	strace $0x80000048  }
0xb6: {  	_ =	swait.ge [sflag:s29], $0x1  }
0xb7: {  	[sflag:s29] =	ssyncadd.s32 $0xFFFFFFFF  }
0xb8: {  	_ =	strace $0x90000048  }
0xb9: {  	_ =	sfence  }
0xba: {  	s30 =	sld [smem:$0x0];
	_ =	sdelay $0x2  }
0xbb: {  	s31 =	sshll.u32 s1, $0xD;
	s1 =	sshrl.u32 s1, $0x2  }
0xbc: {  	s3 =	sand.u32 $0x4000, s31;
	s1 =	sadd.s32 s1, s30  }
0xbd: {  	s0 =	sor.u32 s3, s0;
	s1 =	sshll.u32 s1, $0x11  }
0xbe: {  	s0 =	sor.u32 s1, s0  }
0xbf: {  	s0 =	sadd.s32 $0x8F2B, s0  }
0xc0: {  	[sflag:s0] =	ssyncadd.remote.s32 $0x1  }
0xc1: {  	_ =	sfence.sel $0xFFFF  }
0xc2: {  	[dreg:$0x0] =	wrdreg $0xFFFFFFFF;
	(pc) =	sbr.abs _section_cstart, $3  }
0xc3: {  	[dreg:$0x1] =	wrdreg $0xFFFFFFFF  }
0xc4: {  	_ =	task.clear_ibuf [dreg:s9], $0x2FFFF;
	_ =	strace $0x9FFFFFFF  }
0xc5: {  	(tm) =	ssettm $0x7FFFFFFF  }
tec
execute0_lowered:
.L_overlay_start_1:
0x0: {  	(tag) =	ssettag $0x1  }
0x1: {  	s0 =	rddreg [dreg:$0x0]  }
0x2: {  	s2 =	rddreg [dreg:$0x1]  }
0x3: {  	s1 =	rddreg [dreg:$0x2];
	s3 =	srdreg.scid  }
0x4: {  	s8 =	stileid.u32;
	s28 =	simm.s32 $0xDC00;
	s30 =	simm.s32 $0x11C00  }
0x5: {  	s31 =	simm.s32 $0x1;
	s29 =	simm.s32 $0x5;
	s4 =	sand.u32 $0x1, s3  }
0x6: {  	s3 =	simm.s32 $0x0;
	s5 =	sshll.u32 s8, $0x8;
	s15 =	sshll.u32 s8, $0xF  }
0x7: {  	s6 =	sshll.u32 s4, $0x7;
	[smem:$0x7FF] =	sst s3;
	s7 =	ssub.s32 $0x2, s4  }
0x8: {  	s4 =	sshll.u32 s4, $0xE;
	s5 =	sor.u32 s6, s5;
	_ =	strace $0x80000047  }
0x9: {  	s12 =	sshrl.u32 s7, $0x1;
	s4 =	sor.u32 s4, s15;
	s6 =	simm.s32 $0x0  }
0xa: {  	s9 =	sadd.s32 s0, s5;
	s13 =	ssub.s32 s7, s12;
	s5 =	sshll.u32 s5, $0x4  }
0xb: {  	s20 =	sor.u32 $0x200000, s4;
	s22 =	sor.u32 $0x180000, s4;
	s25 =	sor.u32 $0x100000, s4  }
0xc: {  	s26 =	sor.u32 $0x80000, s4;
	[dreg:$0x4] =	wrdreg s9;
	s14 =	sadd.s32 $0x6000, s9  }
0xd: {  	s5 =	sadd.s32 s5, s1;
	s0 =	smax.u32 s13, $0x1;
	[dreg:$0x5] =	wrdreg s14  }
0xe: {  	s4 =	sshrl.u32 s4, $0x3;
	s16 =	sadd.s32 $0x2D0000, s5;
	[dreg:$0xb] =	wrdreg s0  }
0xf: {  	s21 =	sshrl.u32 s20, $0x3;
	s17 =	sadd.s32 $0x2E0000, s5;
	[dreg:$0x6] =	wrdreg s16  }
0x10: {  	s24 =	sshrl.u32 s22, $0x3;
	s18 =	sadd.s32 $0x2F0000, s5;
	[dreg:$0x7] =	wrdreg s17  }
0x11: {  	s20 =	simm.s32 $0xB;
	s19 =	sadd.s32 $0x300000, s5;
	[dreg:$0x8] =	wrdreg s18  }
0x12: {  	s22 =	simm.s32 $0x1C00;
	s5 =	sadd.s32 $0x310000, s5;
	[dreg:$0x9] =	wrdreg s19  }
0x13: {  	s23 =	sadd.s32 s21, s1;
	s0 =	sadd.s32 s24, s1;
	[dreg:$0xa] =	wrdreg s5  }
0x14: {  	s21 =	simm.s32 $0x80;
	s24 =	simm.s32 $0x4;
	[dreg:$0xc] =	wrdreg s23  }
0x15: {  	[dreg:$0xd] =	wrdreg s0;
	s0 =	sshrl.u32 s25, $0x3;
	s5 =	sshrl.u32 s26, $0x3  }
0x16: {  	s16 =	sadd.s32 s4, s1;
	s23 =	simm.s32 $0x5C00;
	s25 =	simm.s32 $0x9C00  }
0x17: {  	s17 =	simm.s32 $0x7;
	s18 =	simm.s32 $0x3;
	s19 =	simm.s32 $0x8  }
0x18: {  	s26 =	simm.s32 $0x9;
	s14 =	sadd.s32 s0, s1;
	s15 =	sadd.s32 s5, s1  }
0x19: {  	s0 =	simm.s32 $0x6;
	s1 =	simm.s32 $0x2;
	s5 =	simm.s32 $0xA  }
.LBB2_1:
0x1a: {  	s4 =	rddreg [dreg:$0x4];
	s7 =	simm.s32 $0x400;
	s8 =	simm.s32 $0x8000  }
0x1b: {  	[tilespmem:s3], [sflag:$0xB] =	stream.strided.gather [hbm4b:s4+s7], $0x1800, s8, s7, $0x38;
	[tilespmem:$0x15C00] =	vst v63  }
0x1c: {  	s12 =	rddreg [dreg:$0x5];
	s13 =	simm.s32 $0x1800  }
0x1d: {  	[tilespmem:s13], [sflag:$0xB] =	stream.linear.gather [hbm4b:s12+s3], $0x100, $0x38;
	[tilespmem:$0x15C00] =	vst v63  }
0x1e: {  	_ =	swait.ge [sflag:s20], $0x1900  }
0x1f: {  	[sflag:s20] =	ssyncset.done $0x0  }
0x20: {  	[sflag:s20] =	ssyncadd.s32 $0xFFFFE700  }
0x21: {  	[tilespmem:s22], [sflag:$0x1] =	stream.indirect.gather [hbm4b:s2+s21], $0x80, s3, s21, $0xb8;
	[tilespmem:$0x15C00] =	vst v63  }
0x22: {  	_ = 	snop  }
0x23: {  	[tilespmem:s23], [sflag:$0x2] =	stream.indirect.gather [hbm4b:s2+s21], $0x80, s21, s21, $0xb8;
	[tilespmem:$0x15C00] =	vst v63  }
0x24: {  	s7 =	simm.s32 $0x100  }
0x25: {  	[tilespmem:s25], [sflag:$0x3] =	stream.indirect.gather [hbm4b:s2+s21], $0x80, s7, s21, $0xb8;
	[tilespmem:$0x15C00] =	vst v63  }
0x26: {  	s8 =	simm.s32 $0x180  }
0x27: {  	[tilespmem:s28], [sflag:$0x4] =	stream.indirect.gather [hbm4b:s2+s21], $0x80, s8, s21, $0xb8;
	[tilespmem:$0x15C00] =	vst v63  }
0x28: {  	s9 =	simm.s32 $0x200  }
0x29: {  	[tilespmem:s30], [sflag:$0x5] =	stream.indirect.gather [hbm4b:s2+s21], $0x80, s9, s21, $0xb8;
	[tilespmem:$0x15C00] =	vst v63  }
0x2a: {  	_ =	swait.ge [sflag:s31], $0x4000  }
0x2b: {  	[sflag:s31] =	ssyncset.done $0x0  }
0x2c: {  	[sflag:s31] =	ssyncadd.s32 $0xFFFFC000  }
0x2d: {  	[hbm4b:s16+s3] =	stream.linear.scatter [tilespmem:s22], [sflag:$0x6], $0x4000, $0x38;
	[tilespmem:$0x15C00] =	vst v63  }
0x2e: {  	_ =	swait.ge [sflag:s0], $0x4000  }
0x2f: {  	[sflag:s0] =	ssyncset.done $0x0  }
0x30: {  	s10 =	simm.s32 $0x280;
	[sflag:s0] =	ssyncadd.s32 $0xFFFFC000  }
0x31: {  	[tilespmem:s22], [sflag:$0x1] =	stream.indirect.gather [hbm4b:s2+s21], $0x80, s10, s21, $0xb8;
	[tilespmem:$0x15C00] =	vst v63  }
0x32: {  	_ =	swait.ge [sflag:s1], $0x4000  }
0x33: {  	[sflag:s1] =	ssyncset.done $0x0  }
0x34: {  	[sflag:s1] =	ssyncadd.s32 $0xFFFFC000  }
0x35: {  	[hbm4b:s15+s3] =	stream.linear.scatter [tilespmem:s23], [sflag:$0x7], $0x4000, $0x38;
	[tilespmem:$0x15C00] =	vst v63  }
0x36: {  	_ =	swait.ge [sflag:s17], $0x4000  }
0x37: {  	[sflag:s17] =	ssyncset.done $0x0  }
0x38: {  	s11 =	simm.s32 $0x300;
	[sflag:s17] =	ssyncadd.s32 $0xFFFFC000  }
0x39: {  	[tilespmem:s23], [sflag:$0x2] =	stream.indirect.gather [hbm4b:s2+s21], $0x80, s11, s21, $0xb8;
	[tilespmem:$0x15C00] =	vst v63  }
0x3a: {  	_ =	swait.ge [sflag:s18], $0x4000  }
0x3b: {  	[sflag:s18] =	ssyncset.done $0x0  }
0x3c: {  	[sflag:s18] =	ssyncadd.s32 $0xFFFFC000  }
0x3d: {  	[hbm4b:s14+s3] =	stream.linear.scatter [tilespmem:s25], [sflag:$0x8], $0x4000, $0x38;
	[tilespmem:$0x15C00] =	vst v63  }
0x3e: {  	_ =	swait.ge [sflag:s19], $0x4000  }
0x3f: {  	[sflag:s19] =	ssyncset.done $0x0  }
0x40: {  	s12 =	simm.s32 $0x380;
	[sflag:s19] =	ssyncadd.s32 $0xFFFFC000  }
0x41: {  	[tilespmem:s25], [sflag:$0x3] =	stream.indirect.gather [hbm4b:s2+s21], $0x80, s12, s21, $0xb8;
	[tilespmem:$0x15C00] =	vst v63  }
0x42: {  	_ =	swait.ge [sflag:s24], $0x4000  }
0x43: {  	[sflag:s24] =	ssyncset.done $0x0  }
0x44: {  	s9 =	rddreg [dreg:$0xd];
	[sflag:s24] =	ssyncadd.s32 $0xFFFFC000  }
0x45: {  	[hbm4b:s9+s3] =	stream.linear.scatter [tilespmem:s28], [sflag:$0x9], $0x4000, $0x38;
	[tilespmem:$0x15C00] =	vst v63  }
0x46: {  	_ =	swait.ge [sflag:s26], $0x4000  }
0x47: {  	[sflag:s26] =	ssyncset.done $0x0  }
0x48: {  	s13 =	simm.s32 $0x400;
	[sflag:s26] =	ssyncadd.s32 $0xFFFFC000  }
0x49: {  	[tilespmem:s28], [sflag:$0x4] =	stream.indirect.gather [hbm4b:s2+s21], $0x80, s13, s21, $0xb8;
	[tilespmem:$0x15C00] =	vst v63  }
0x4a: {  	_ =	swait.ge [sflag:s29], $0x4000  }
0x4b: {  	[sflag:s29] =	ssyncset.done $0x0  }
0x4c: {  	s4 =	sadd.s32 $0x50000, s15;
	s11 =	rddreg [dreg:$0xc];
	[sflag:s29] =	ssyncadd.s32 $0xFFFFC000  }
0x4d: {  	[hbm4b:s11+s3] =	stream.linear.scatter [tilespmem:s30], [sflag:$0xA], $0x4000, $0x38;
	[tilespmem:$0x15C00] =	vst v63  }
0x4e: {  	s7 =	simm.s32 $0xA00;
	s8 =	sadd.s32 $0x50000, s16;
	_ =	swait.ge [sflag:s5], $0x4000  }
0x4f: {  	s10 =	sadd.s32 $0x50000, s14;
	s12 =	simm.s32 $0x480;
	[sflag:s5] =	ssyncset.done $0x0  }
0x50: {  	s9 =	sadd.s32 $0x50000, s9;
	s11 =	sadd.s32 $0x50000, s11;
	[sflag:s5] =	ssyncadd.s32 $0xFFFFC000  }
.LBB2_2:
0x51: {  	[tilespmem:s30], [sflag:$0x5] =	stream.indirect.gather [hbm4b:s2+s21], $0x80, s12, s21, $0xb8;
	[tilespmem:$0x15C00] =	vst v63  }
0x52: {  	s12 =	smov.u32 s7  }
0x53: {  	p0 =	sne.s32 s7, $0x5000;
	s7 =	sadd.s32 $0xA00, s7;
	_ =	swait.ge [sflag:s31], $0x4000  }
0x54: {  	[sflag:s31] =	ssyncset.done $0x0  }
0x55: {  	[sflag:s31] =	ssyncadd.s32 $0xFFFFC000  }
0x56: {  	[hbm4b:s8+s3] =	stream.linear.scatter [tilespmem:s22], [sflag:$0x6], $0x4000, $0x38;
	[tilespmem:$0x15C00] =	vst v63  }
0x57: {  	_ =	swait.ge [sflag:s0], $0x4000  }
0x58: {  	s12 =	sshra.s32 s12, $0x2;
	[sflag:s0] =	ssyncset.done $0x0  }
0x59: {  	s13 =	sadd.s32 $0x280, s12;
	[sflag:s0] =	ssyncadd.s32 $0xFFFFC000  }
0x5a: {  	[tilespmem:s22], [sflag:$0x1] =	stream.indirect.gather [hbm4b:s2+s21], $0x80, s13, s21, $0xb8;
	[tilespmem:$0x15C00] =	vst v63  }
0x5b: {  	_ =	swait.ge [sflag:s1], $0x4000  }
0x5c: {  	[sflag:s1] =	ssyncset.done $0x0  }
0x5d: {  	[sflag:s1] =	ssyncadd.s32 $0xFFFFC000  }
0x5e: {  	[hbm4b:s4+s3] =	stream.linear.scatter [tilespmem:s23], [sflag:$0x7], $0x4000, $0x38;
	[tilespmem:$0x15C00] =	vst v63  }
0x5f: {  	_ =	swait.ge [sflag:s17], $0x4000  }
0x60: {  	[sflag:s17] =	ssyncset.done $0x0  }
0x61: {  	s13 =	sadd.s32 $0x300, s12;
	[sflag:s17] =	ssyncadd.s32 $0xFFFFC000  }
0x62: {  	[tilespmem:s23], [sflag:$0x2] =	stream.indirect.gather [hbm4b:s2+s21], $0x80, s13, s21, $0xb8;
	[tilespmem:$0x15C00] =	vst v63  }
0x63: {  	_ =	swait.ge [sflag:s18], $0x4000  }
0x64: {  	[sflag:s18] =	ssyncset.done $0x0  }
0x65: {  	[sflag:s18] =	ssyncadd.s32 $0xFFFFC000  }
0x66: {  	[hbm4b:s10+s3] =	stream.linear.scatter [tilespmem:s25], [sflag:$0x8], $0x4000, $0x38;
	[tilespmem:$0x15C00] =	vst v63  }
0x67: {  	_ =	swait.ge [sflag:s19], $0x4000  }
0x68: {  	[sflag:s19] =	ssyncset.done $0x0  }
0x69: {  	s13 =	sadd.s32 $0x380, s12;
	[sflag:s19] =	ssyncadd.s32 $0xFFFFC000  }
0x6a: {  	[tilespmem:s25], [sflag:$0x3] =	stream.indirect.gather [hbm4b:s2+s21], $0x80, s13, s21, $0xb8;
	[tilespmem:$0x15C00] =	vst v63  }
0x6b: {  	_ =	swait.ge [sflag:s24], $0x4000  }
0x6c: {  	[sflag:s24] =	ssyncset.done $0x0  }
0x6d: {  	[sflag:s24] =	ssyncadd.s32 $0xFFFFC000  }
0x6e: {  	[hbm4b:s9+s3] =	stream.linear.scatter [tilespmem:s28], [sflag:$0x9], $0x4000, $0x38;
	[tilespmem:$0x15C00] =	vst v63  }
0x6f: {  	_ =	swait.ge [sflag:s26], $0x4000  }
0x70: {  	[sflag:s26] =	ssyncset.done $0x0  }
0x71: {  	s13 =	sadd.s32 $0x400, s12;
	[sflag:s26] =	ssyncadd.s32 $0xFFFFC000  }
0x72: {  	[tilespmem:s28], [sflag:$0x4] =	stream.indirect.gather [hbm4b:s2+s21], $0x80, s13, s21, $0xb8;
	[tilespmem:$0x15C00] =	vst v63  }
0x73: {  	_ =	swait.ge [sflag:s29], $0x4000  }
0x74: {  	[sflag:s29] =	ssyncset.done $0x0  }
.Ltmp0:
0x75: {  	[sflag:s29] =	ssyncadd.s32 $0xFFFFC000;
	(pc) =	sbr.rel @p0 .LBB2_2-.Ltmp0, $4  }
0x76: {  	[hbm4b:s11+s3] =	stream.linear.scatter [tilespmem:s30], [sflag:$0xA], $0x4000, $0x38;
	[tilespmem:$0x15C00] =	vst v63  }
0x77: {  	s8 =	sadd.s32 $0x50000, s8;
	s4 =	sadd.s32 $0x50000, s4;
	_ =	swait.ge [sflag:s5], $0x4000  }
0x78: {  	s10 =	sadd.s32 $0x50000, s10;
	s9 =	sadd.s32 $0x50000, s9;
	[sflag:s5] =	ssyncset.done $0x0  }
0x79: {  	s12 =	sadd.s32 $0x480, s12;
	s11 =	sadd.s32 $0x50000, s11;
	[sflag:s5] =	ssyncadd.s32 $0xFFFFC000  }
0x7a: {  	[tilespmem:s30], [sflag:$0x5] =	stream.indirect.gather [hbm4b:s2+s21], $0x80, s12, s21, $0xb8;
	[tilespmem:$0x15C00] =	vst v63  }
0x7b: {  	_ =	swait.ge [sflag:s31], $0x4000  }
0x7c: {  	[sflag:s31] =	ssyncset.done $0x0  }
0x7d: {  	s4 =	rddreg [dreg:$0x6];
	[sflag:s31] =	ssyncadd.s32 $0xFFFFC000  }
0x7e: {  	[hbm4b:s4+s3] =	stream.linear.scatter [tilespmem:s22], [sflag:$0xB], $0x4000, $0x38;
	[tilespmem:$0x15C00] =	vst v63  }
0x7f: {  	_ =	swait.ge [sflag:s20], $0x4000  }
0x80: {  	[sflag:s20] =	ssyncset.done $0x0  }
0x81: {  	[sflag:s20] =	ssyncadd.s32 $0xFFFFC000  }
0x82: {  	_ =	swait.ge [sflag:s1], $0x4000  }
0x83: {  	[sflag:s1] =	ssyncset.done $0x0  }
0x84: {  	s9 =	rddreg [dreg:$0x7];
	[sflag:s1] =	ssyncadd.s32 $0xFFFFC000  }
0x85: {  	[hbm4b:s9+s3] =	stream.linear.scatter [tilespmem:s23], [sflag:$0xB], $0x4000, $0x38;
	[tilespmem:$0x15C00] =	vst v63  }
0x86: {  	_ =	swait.ge [sflag:s20], $0x4000  }
0x87: {  	[sflag:s20] =	ssyncset.done $0x0  }
0x88: {  	[sflag:s20] =	ssyncadd.s32 $0xFFFFC000  }
0x89: {  	_ =	swait.ge [sflag:s18], $0x4000  }
0x8a: {  	[sflag:s18] =	ssyncset.done $0x0  }
0x8b: {  	s10 =	rddreg [dreg:$0x8];
	[sflag:s18] =	ssyncadd.s32 $0xFFFFC000  }
0x8c: {  	[hbm4b:s10+s3] =	stream.linear.scatter [tilespmem:s25], [sflag:$0xB], $0x4000, $0x38;
	[tilespmem:$0x15C00] =	vst v63  }
0x8d: {  	_ =	swait.ge [sflag:s20], $0x4000  }
0x8e: {  	[sflag:s20] =	ssyncset.done $0x0  }
0x8f: {  	[sflag:s20] =	ssyncadd.s32 $0xFFFFC000  }
0x90: {  	_ =	swait.ge [sflag:s24], $0x4000  }
0x91: {  	[sflag:s24] =	ssyncset.done $0x0  }
0x92: {  	s11 =	rddreg [dreg:$0x9];
	[sflag:s24] =	ssyncadd.s32 $0xFFFFC000  }
0x93: {  	[hbm4b:s11+s3] =	stream.linear.scatter [tilespmem:s28], [sflag:$0xB], $0x4000, $0x38;
	[tilespmem:$0x15C00] =	vst v63  }
0x94: {  	_ =	swait.ge [sflag:s20], $0x4000  }
0x95: {  	[sflag:s20] =	ssyncset.done $0x0  }
0x96: {  	[sflag:s20] =	ssyncadd.s32 $0xFFFFC000  }
0x97: {  	_ =	swait.ge [sflag:s29], $0x4000  }
0x98: {  	[sflag:s29] =	ssyncset.done $0x0  }
0x99: {  	s12 =	rddreg [dreg:$0xa];
	[sflag:s29] =	ssyncadd.s32 $0xFFFFC000  }
0x9a: {  	[hbm4b:s12+s3] =	stream.linear.scatter [tilespmem:s30], [sflag:$0xB], $0x4000, $0x38;
	[tilespmem:$0x15C00] =	vst v63  }
0x9b: {  	_ =	swait.ge [sflag:s20], $0x4000  }
0x9c: {  	s6 =	sadd.s32 $0x1, s6;
	s13 =	rddreg [dreg:$0xb]  }
0x9d: {  	p0 =	sne.s32 s6, s13  }
.Ltmp1:
0x9e: {  	_ = 	snop;
	(pc) =	sbr.rel @p0 .LBB2_1-.Ltmp1, $3  }
0x9f: {  	_ =	sdelay $0x1  }
0xa0: {  	[sflag:s20] =	ssyncset.done $0x0  }
0xa1: {  	[sflag:s20] =	ssyncadd.s32 $0xFFFFC000  }
0xa2: {  	_ =	sfence.sel $0x180000  }
0xa3: {  	[bflag:$0x0] =	sbarrier.arrive $0xFFFF  }
0xa4: {  	_ =	strace $0x90000047  }
0xa5: {  	s0 =	stileid.u32;
	[bflag:$0x2] =	sbarrier.arrive $0xFFFF  }
0xa6: {  	p0 =	sne.s32 s0, $0x0;
	s0 =	rddreg [dreg:$0x3]  }
0xa7: {  	s0 =	sadd.s32 @!p0 $0x100000, s0  }
0xa8: {  	[sflag:s0] =	ssyncadd.tile.s32 @!p0 $0x1;
	_ =	shalt  }
.Lfunc_end2:
_tile_overlayer_lowered:
.L_overlay_start_2:
0xa9: {  	(tag) =	ssettag $0x2  }
0xaa: {  	s0 =	rddreg [dreg:$0x0];
	s2 =	stileid.u32  }
0xab: {  	s1 =	rddreg [dreg:$0x1];
	p0 =	sne.s32 s2, $0x0  }
0xac: {  	s3 =	rddreg [dreg:$0x2];
	[bflag:$0x3] =	sbarrier.arrive $0xFFFF;
	s2 =	simm.s32 @!p0 $0x1C0B  }
0xad: {  	[timem:s3], [sflag:s2] =	dma.local @!p0 [hbm:s0], s1  }
0xae: {  	s0 =	simm.s32 @!p0 $0xB  }
0xaf: {  	_ =	swait.ge @!p0 [sflag:s0], s1  }
0xb0: {  	s1 =	ssub.s32 @!p0 $0x0, s1;
	[sflag:s0] =	ssyncset.done @!p0 $0x0  }
0xb1: {  	[sflag:s0] =	ssyncadd.s32 @!p0 s1  }
0xb2: {  	[bflag:$0x3] =	sbarrier.arrive $0xFFFF  }
0xb3: {  	_ =	shalt  }

</sc_bundles>
